<compile_context>
chip_gen: v7x
topology: tpu7x:2x2x1
jax: 0.10.2.dev20260603
libtpu: 0.0.44.dev20260713+nightly
codegen_flags: <defaults>
</compile_context>

<pallas_src>
import functools

import jax
import jax.numpy as jnp
from jax import lax
from jax.experimental import pallas as pl
from jax.experimental.pallas import tpu as pltpu
from jax.experimental.pallas import tpu_sc as plsc

VOCAB = 1000
EMB_D = 128
BATCH = 16384
CHUNK = 64
STAGE_ROWS = 64
STAGE_TAIL = VOCAB - 15 * STAGE_ROWS


@functools.cache
def _build():
    info = plsc.get_sparse_core_info()
    nc = info.num_cores
    nw = nc * info.num_subcores
    b_per_w = BATCH // nw
    n_chunks = b_per_w // CHUNK
    mesh = plsc.VectorSubcoreMesh(core_axis_name="c", subcore_axis_name="s")

    @functools.partial(
        pl.kernel,
        mesh=mesh,
        out_type=jax.ShapeDtypeStruct((BATCH, EMB_D), jnp.float32),
        scratch_types=[
            pltpu.VMEM((n_chunks, CHUNK), jnp.int32),
            pltpu.VMEM((b_per_w, EMB_D), jnp.float32),
            pltpu.VMEM_SHARED((VOCAB, EMB_D), jnp.float32),
        ] + [pltpu.SemaphoreType.DMA] * 10,
    )
    def emb_kernel(
        idx_hbm, table_hbm, out_hbm, idx_v, rows_v, table_sp, *sems
    ):
        gsems, tsem, ssem = list(sems[:8]), sems[8], sems[9]
        sid = lax.axis_index("s")
        wid = sid * nc + lax.axis_index("c")
        base = wid * b_per_w

        @pl.when(sid < 15)
        def _stage():
            c = pltpu.async_copy(
                table_hbm.at[pl.ds(sid * STAGE_ROWS, STAGE_ROWS)],
                table_sp.at[pl.ds(sid * STAGE_ROWS, STAGE_ROWS)],
                tsem,
            )
            pltpu.sync_copy(idx_hbm.at[wid], idx_v)
            c.wait()

        @pl.when(sid == 15)
        def _stage_tail():
            c = pltpu.async_copy(
                table_hbm.at[pl.ds(15 * STAGE_ROWS, STAGE_TAIL)],
                table_sp.at[pl.ds(15 * STAGE_ROWS, STAGE_TAIL)],
                tsem,
            )
            pltpu.sync_copy(idx_hbm.at[wid], idx_v)
            c.wait()

        plsc.subcore_barrier()

        gathers = []
        for j in range(n_chunks):
            gathers.append(
                pltpu.async_copy(
                    table_sp.at[idx_v.at[j]],
                    rows_v.at[pl.ds(j * CHUNK, CHUNK)],
                    gsems[j],
                )
            )

        stores = []
        for j in range(n_chunks):
            gathers[j].wait()
            stores.append(
                pltpu.async_copy(
                    rows_v.at[pl.ds(j * CHUNK, CHUNK)],
                    out_hbm.at[pl.ds(base + j * CHUNK, CHUNK)],
                    ssem,
                )
            )
        for s in stores:
            s.wait()

    return emb_kernel, nw, n_chunks


def kernel(x, table):
    emb_kernel, nw, n_chunks = _build()
    idx = x.astype(jnp.int32).reshape(nw, n_chunks, CHUNK)
    return emb_kernel(idx, table)

# --- scband reference (transcript-rebuilt; emitter-appended) ---
"""Pipeline reference for scband-expandable-vocabulary-embedding-1717986918484 (READ-ONLY COPY).

The authoritative reference and input builder live on the scoring server;
editing this copy changes nothing except your own understanding.
"""

import jax, jax.numpy as jnp
import numpy as np

VOCAB = 1000
EMBED_DIM = 128
BATCH = 16384


def setup_inputs(seed: int = 0) -> dict:
    key = jax.random.key(seed)
    k_idx, k_tab = jax.random.split(key)
    # Forward arg: indices of vocabulary items already present in the
    # vocabulary dict (initial_vocab_list = range(VOCAB) maps item i -> index i,
    # so vocab2index == x and no vocabulary expansion occurs).
    x = jax.random.randint(k_idx, (BATCH,), 0, VOCAB, dtype=jnp.int64)
    # Learned parameter: nn.Embedding weight, initialized N(0, 1) like torch.
    table = jax.random.normal(k_tab, (VOCAB, EMBED_DIM), dtype=jnp.float32)
    return {"x": x, "table": table}


def reference(x, table):
    # Faithful translation of forward: each item maps to its index via the
    # identity vocabulary dict, then an embedding gather produces the output.
    # (The tensor_to_index_dict bookkeeping is pure Python side-state with no
    # effect on the returned tensor.)
    output = jnp.take(table, x, axis=0)
    return output

if __name__ == "__main__":
    import jax
    _d = setup_inputs()
    print(jax.jit(kernel)(*tuple(_d.values())))

</pallas_src>

<mosaic_0001>
#map = affine_map<(d0, d1) -> (0, 0, 0)>
#map1 = affine_map<(d0, d1) -> (0, 0)>
module attributes {stable_mosaic.version = 14 : i64} {
  func.func @emb_kernel(%arg0: i32, %arg1: i32, %arg2: memref<32x8x64xi32, #tpu.memory_space<hbm>>, %arg3: memref<1000x128xf32, #tpu.memory_space<hbm>>, %arg4: memref<16384x128xf32, #tpu.memory_space<hbm>>, %arg5: memref<8x64xi32, #tpu.memory_space<vmem>>, %arg6: memref<512x128xf32, #tpu.memory_space<vmem>>, %arg7: memref<1000x128xf32, #tpu.memory_space<vmem_shared>>, %arg8: memref<!tpu.dma_semaphore, #tpu.memory_space<semaphore_mem>>, %arg9: memref<!tpu.dma_semaphore, #tpu.memory_space<semaphore_mem>>, %arg10: memref<!tpu.dma_semaphore, #tpu.memory_space<semaphore_mem>>, %arg11: memref<!tpu.dma_semaphore, #tpu.memory_space<semaphore_mem>>, %arg12: memref<!tpu.dma_semaphore, #tpu.memory_space<semaphore_mem>>, %arg13: memref<!tpu.dma_semaphore, #tpu.memory_space<semaphore_mem>>, %arg14: memref<!tpu.dma_semaphore, #tpu.memory_space<semaphore_mem>>, %arg15: memref<!tpu.dma_semaphore, #tpu.memory_space<semaphore_mem>>, %arg16: memref<!tpu.dma_semaphore, #tpu.memory_space<semaphore_mem>>, %arg17: memref<!tpu.dma_semaphore, #tpu.memory_space<semaphore_mem>>) attributes {dimension_semantics = [#tpu.dimension_semantics<core_parallel>, #tpu.dimension_semantics<subcore_parallel>], iteration_bounds = array<i64: 2, 16>, scalar_prefetch = 0 : i64, scratch_operands = 13 : i64, tpu.core_type = #tpu.core_type<sc_vector_subcore>, window_params = [{transform_indices = #map}, {transform_indices = #map1}, {transform_indices = #map1}]} {
    %mul3A = arith.constant 2 : i32
    %mul3A_0 = arith.muli %arg1, %mul3A : i32
    %add3A = arith.addi %mul3A_0, %arg0 : i32
    %mul3A_1 = arith.constant 512 : i32
    %mul3A_2 = arith.muli %add3A, %mul3A_1 : i32
    %lt3A = arith.constant 15 : i32
    %lt3A_3 = arith.cmpi slt, %arg1, %lt3A : i32
    %convert_element_type3A = arith.extui %lt3A_3 : i1 to i32
    %cond3A = arith.constant 0 : i32
    %cond3A_4 = arith.cmpi ne, %convert_element_type3A, %cond3A : i32
    scf.if %cond3A_4 {
      %mul3A_343 = arith.constant 64 : i32
      %mul3A_344 = arith.muli %arg1, %mul3A_343 : i32
      %mul3A_345 = arith.constant 64 : i32
      %mul3A_346 = arith.muli %arg1, %mul3A_345 : i32
      %dma_start3A_347 = arith.constant 0 : i32
      %dma_start3A_348 = tpu.memref_slice %arg7[%mul3A_346, %dma_start3A_347] : memref<1000x128xf32, #tpu.memory_space<vmem_shared>> -> memref<64x128xf32, #tpu.memory_space<vmem_shared>>
      %dma_start3A_349 = arith.constant 0 : i32
      %dma_start3A_350 = tpu.memref_slice %arg3[%mul3A_344, %dma_start3A_349] : memref<1000x128xf32, #tpu.memory_space<hbm>> -> memref<64x128xf32, #tpu.memory_space<hbm>>
      tpu.enqueue_dma source(%dma_start3A_350 : memref<64x128xf32, #tpu.memory_space<hbm>>) target(%dma_start3A_348 : memref<64x128xf32, #tpu.memory_space<vmem_shared>>) target_semaphore(%arg16 : memref<!tpu.dma_semaphore, #tpu.memory_space<semaphore_mem>>)
      "tpu.region"() ({
        %run_scoped3A = tpu.sem_alloc : memref<!tpu.dma_semaphore, #tpu.memory_space<semaphore_mem>>
        %dma_start3A_355 = arith.constant 0 : i32
        %dma_start3A_356 = arith.constant 0 : i32
        %dma_start3A_357 = tpu.memref_slice %arg2[%add3A, %dma_start3A_355, %dma_start3A_356] : memref<32x8x64xi32, #tpu.memory_space<hbm>> -> memref<1x8x64xi32, #tpu.memory_space<hbm>>
        %dma_start3A_358 = tpu.memref_squeeze %dma_start3A_357 : memref<1x8x64xi32, #tpu.memory_space<hbm>> -> memref<8x64xi32, #tpu.memory_space<hbm>>
        %dma_start3A_359 = arith.constant 0 : i32
        %dma_start3A_360 = arith.constant 0 : i32
        %dma_start3A_361 = tpu.memref_slice %arg2[%add3A, %dma_start3A_359, %dma_start3A_360] : memref<32x8x64xi32, #tpu.memory_space<hbm>> -> memref<1x8x64xi32, #tpu.memory_space<hbm>>
        %dma_start3A_362 = tpu.memref_squeeze %dma_start3A_361 : memref<1x8x64xi32, #tpu.memory_space<hbm>> -> memref<8x64xi32, #tpu.memory_space<hbm>>
        tpu.enqueue_dma source(%dma_start3A_362 : memref<8x64xi32, #tpu.memory_space<hbm>>) target(%arg5 : memref<8x64xi32, #tpu.memory_space<vmem>>) target_semaphore(%run_scoped3A : memref<!tpu.dma_semaphore, #tpu.memory_space<semaphore_mem>>)
        %dma_wait3A_363 = arith.constant 0 : i32
        %dma_wait3A_364 = arith.constant 0 : i32
        %dma_wait3A_365 = tpu.memref_slice %arg2[%add3A, %dma_wait3A_363, %dma_wait3A_364] : memref<32x8x64xi32, #tpu.memory_space<hbm>> -> memref<1x8x64xi32, #tpu.memory_space<hbm>>
        %dma_wait3A_366 = tpu.memref_squeeze %dma_wait3A_365 : memref<1x8x64xi32, #tpu.memory_space<hbm>> -> memref<8x64xi32, #tpu.memory_space<hbm>>
        %dma_wait3A_367 = arith.constant 0 : i32
        %dma_wait3A_368 = arith.constant 0 : i32
        %dma_wait3A_369 = tpu.memref_slice %arg2[%add3A, %dma_wait3A_367, %dma_wait3A_368] : memref<32x8x64xi32, #tpu.memory_space<hbm>> -> memref<1x8x64xi32, #tpu.memory_space<hbm>>
        %dma_wait3A_370 = tpu.memref_squeeze %dma_wait3A_369 : memref<1x8x64xi32, #tpu.memory_space<hbm>> -> memref<8x64xi32, #tpu.memory_space<hbm>>
        tpu.wait_dma2 semaphore(%run_scoped3A : memref<!tpu.dma_semaphore, #tpu.memory_space<semaphore_mem>>) src(%dma_wait3A_370 : memref<8x64xi32, #tpu.memory_space<hbm>>) dst(%arg5 : memref<8x64xi32, #tpu.memory_space<vmem>>)
        tpu.yield
      }) : () -> ()
      %dma_wait3A_351 = arith.constant 0 : i32
      %dma_wait3A_352 = tpu.memref_slice %arg7[%mul3A_346, %dma_wait3A_351] : memref<1000x128xf32, #tpu.memory_space<vmem_shared>> -> memref<64x128xf32, #tpu.memory_space<vmem_shared>>
      %dma_wait3A_353 = arith.constant 0 : i32
      %dma_wait3A_354 = tpu.memref_slice %arg3[%mul3A_344, %dma_wait3A_353] : memref<1000x128xf32, #tpu.memory_space<hbm>> -> memref<64x128xf32, #tpu.memory_space<hbm>>
      tpu.wait_dma2 semaphore(%arg16 : memref<!tpu.dma_semaphore, #tpu.memory_space<semaphore_mem>>) src(%dma_wait3A_354 : memref<64x128xf32, #tpu.memory_space<hbm>>) dst(%dma_wait3A_352 : memref<64x128xf32, #tpu.memory_space<vmem_shared>>)
    } else {
    }
    %eq3A = arith.constant 15 : i32
    %eq3A_5 = arith.cmpi eq, %arg1, %eq3A : i32
    %convert_element_type3A_6 = arith.extui %eq3A_5 : i1 to i32
    %cond3A_7 = arith.constant 0 : i32
    %cond3A_8 = arith.cmpi ne, %convert_element_type3A_6, %cond3A_7 : i32
    scf.if %cond3A_8 {
      %dma_start3A_343 = arith.constant 960 : i32
      %dma_start3A_344 = arith.constant 0 : i32
      %dma_start3A_345 = tpu.memref_slice %arg7[%dma_start3A_343, %dma_start3A_344] : memref<1000x128xf32, #tpu.memory_space<vmem_shared>> -> memref<40x128xf32, #tpu.memory_space<vmem_shared>>
      %dma_start3A_346 = arith.constant 960 : i32
      %dma_start3A_347 = arith.constant 0 : i32
      %dma_start3A_348 = tpu.memref_slice %arg3[%dma_start3A_346, %dma_start3A_347] : memref<1000x128xf32, #tpu.memory_space<hbm>> -> memref<40x128xf32, #tpu.memory_space<hbm>>
      tpu.enqueue_dma source(%dma_start3A_348 : memref<40x128xf32, #tpu.memory_space<hbm>>) target(%dma_start3A_345 : memref<40x128xf32, #tpu.memory_space<vmem_shared>>) target_semaphore(%arg16 : memref<!tpu.dma_semaphore, #tpu.memory_space<semaphore_mem>>)
      "tpu.region"() ({
        %run_scoped3A = tpu.sem_alloc : memref<!tpu.dma_semaphore, #tpu.memory_space<semaphore_mem>>
        %dma_start3A_355 = arith.constant 0 : i32
        %dma_start3A_356 = arith.constant 0 : i32
        %dma_start3A_357 = tpu.memref_slice %arg2[%add3A, %dma_start3A_355, %dma_start3A_356] : memref<32x8x64xi32, #tpu.memory_space<hbm>> -> memref<1x8x64xi32, #tpu.memory_space<hbm>>
        %dma_start3A_358 = tpu.memref_squeeze %dma_start3A_357 : memref<1x8x64xi32, #tpu.memory_space<hbm>> -> memref<8x64xi32, #tpu.memory_space<hbm>>
        %dma_start3A_359 = arith.constant 0 : i32
        %dma_start3A_360 = arith.constant 0 : i32
        %dma_start3A_361 = tpu.memref_slice %arg2[%add3A, %dma_start3A_359, %dma_start3A_360] : memref<32x8x64xi32, #tpu.memory_space<hbm>> -> memref<1x8x64xi32, #tpu.memory_space<hbm>>
        %dma_start3A_362 = tpu.memref_squeeze %dma_start3A_361 : memref<1x8x64xi32, #tpu.memory_space<hbm>> -> memref<8x64xi32, #tpu.memory_space<hbm>>
        tpu.enqueue_dma source(%dma_start3A_362 : memref<8x64xi32, #tpu.memory_space<hbm>>) target(%arg5 : memref<8x64xi32, #tpu.memory_space<vmem>>) target_semaphore(%run_scoped3A : memref<!tpu.dma_semaphore, #tpu.memory_space<semaphore_mem>>)
        %dma_wait3A_363 = arith.constant 0 : i32
        %dma_wait3A_364 = arith.constant 0 : i32
        %dma_wait3A_365 = tpu.memref_slice %arg2[%add3A, %dma_wait3A_363, %dma_wait3A_364] : memref<32x8x64xi32, #tpu.memory_space<hbm>> -> memref<1x8x64xi32, #tpu.memory_space<hbm>>
        %dma_wait3A_366 = tpu.memref_squeeze %dma_wait3A_365 : memref<1x8x64xi32, #tpu.memory_space<hbm>> -> memref<8x64xi32, #tpu.memory_space<hbm>>
        %dma_wait3A_367 = arith.constant 0 : i32
        %dma_wait3A_368 = arith.constant 0 : i32
        %dma_wait3A_369 = tpu.memref_slice %arg2[%add3A, %dma_wait3A_367, %dma_wait3A_368] : memref<32x8x64xi32, #tpu.memory_space<hbm>> -> memref<1x8x64xi32, #tpu.memory_space<hbm>>
        %dma_wait3A_370 = tpu.memref_squeeze %dma_wait3A_369 : memref<1x8x64xi32, #tpu.memory_space<hbm>> -> memref<8x64xi32, #tpu.memory_space<hbm>>
        tpu.wait_dma2 semaphore(%run_scoped3A : memref<!tpu.dma_semaphore, #tpu.memory_space<semaphore_mem>>) src(%dma_wait3A_370 : memref<8x64xi32, #tpu.memory_space<hbm>>) dst(%arg5 : memref<8x64xi32, #tpu.memory_space<vmem>>)
        tpu.yield
      }) : () -> ()
      %dma_wait3A_349 = arith.constant 960 : i32
      %dma_wait3A_350 = arith.constant 0 : i32
      %dma_wait3A_351 = tpu.memref_slice %arg7[%dma_wait3A_349, %dma_wait3A_350] : memref<1000x128xf32, #tpu.memory_space<vmem_shared>> -> memref<40x128xf32, #tpu.memory_space<vmem_shared>>
      %dma_wait3A_352 = arith.constant 960 : i32
      %dma_wait3A_353 = arith.constant 0 : i32
      %dma_wait3A_354 = tpu.memref_slice %arg3[%dma_wait3A_352, %dma_wait3A_353] : memref<1000x128xf32, #tpu.memory_space<hbm>> -> memref<40x128xf32, #tpu.memory_space<hbm>>
      tpu.wait_dma2 semaphore(%arg16 : memref<!tpu.dma_semaphore, #tpu.memory_space<semaphore_mem>>) src(%dma_wait3A_354 : memref<40x128xf32, #tpu.memory_space<hbm>>) dst(%dma_wait3A_351 : memref<40x128xf32, #tpu.memory_space<vmem_shared>>)
    } else {
    }
    %barrier3A = arith.constant 0 : index
    tpu.barrier barrier_id(%barrier3A)
    %dma_start3A = arith.constant 0 : i32
    %dma_start3A_9 = arith.constant 0 : i32
    %dma_start3A_10 = arith.constant 0 : i32
    %dma_start3A_11 = tpu.memref_slice %arg6[%dma_start3A_9, %dma_start3A_10] : memref<512x128xf32, #tpu.memory_space<vmem>> -> memref<64x128xf32, #tpu.memory_space<vmem>>
    %dma_start3A_12 = arith.constant 0 : i32
    %dma_start3A_13 = tpu.memref_slice %arg5[%dma_start3A, %dma_start3A_12] : memref<8x64xi32, #tpu.memory_space<vmem>> -> memref<1x64xi32, #tpu.memory_space<vmem>>
    %dma_start3A_14 = tpu.memref_squeeze %dma_start3A_13 : memref<1x64xi32, #tpu.memory_space<vmem>> -> memref<64xi32, #tpu.memory_space<vmem>>
    %dma_start3A_15 = arith.constant 0 : i32
    %dma_start3A_16 = arith.constant 0 : i32
    %dma_start3A_17 = tpu.memref_slice %arg7[%dma_start3A_15, %dma_start3A_16] : memref<1000x128xf32, #tpu.memory_space<vmem_shared>> -> memref<1000x128xf32, #tpu.memory_space<vmem_shared>>
    tpu.enqueue_indirect_dma source(%dma_start3A_17 : memref<1000x128xf32, #tpu.memory_space<vmem_shared>>) target(%dma_start3A_11 : memref<64x128xf32, #tpu.memory_space<vmem>>) offsets(%dma_start3A_14 : memref<64xi32, #tpu.memory_space<vmem>>) semaphore(%arg8 : memref<!tpu.dma_semaphore, #tpu.memory_space<semaphore_mem>>)
    %dma_start3A_18 = arith.constant 1 : i32
    %dma_start3A_19 = arith.constant 64 : i32
    %dma_start3A_20 = arith.constant 0 : i32
    %dma_start3A_21 = tpu.memref_slice %arg6[%dma_start3A_19, %dma_start3A_20] : memref<512x128xf32, #tpu.memory_space<vmem>> -> memref<64x128xf32, #tpu.memory_space<vmem>>
    %dma_start3A_22 = arith.constant 0 : i32
    %dma_start3A_23 = tpu.memref_slice %arg5[%dma_start3A_18, %dma_start3A_22] : memref<8x64xi32, #tpu.memory_space<vmem>> -> memref<1x64xi32, #tpu.memory_space<vmem>>
    %dma_start3A_24 = tpu.memref_squeeze %dma_start3A_23 : memref<1x64xi32, #tpu.memory_space<vmem>> -> memref<64xi32, #tpu.memory_space<vmem>>
    %dma_start3A_25 = arith.constant 0 : i32
    %dma_start3A_26 = arith.constant 0 : i32
    %dma_start3A_27 = tpu.memref_slice %arg7[%dma_start3A_25, %dma_start3A_26] : memref<1000x128xf32, #tpu.memory_space<vmem_shared>> -> memref<1000x128xf32, #tpu.memory_space<vmem_shared>>
    tpu.enqueue_indirect_dma source(%dma_start3A_27 : memref<1000x128xf32, #tpu.memory_space<vmem_shared>>) target(%dma_start3A_21 : memref<64x128xf32, #tpu.memory_space<vmem>>) offsets(%dma_start3A_24 : memref<64xi32, #tpu.memory_space<vmem>>) semaphore(%arg9 : memref<!tpu.dma_semaphore, #tpu.memory_space<semaphore_mem>>)
    %dma_start3A_28 = arith.constant 2 : i32
    %dma_start3A_29 = arith.constant 128 : i32
    %dma_start3A_30 = arith.constant 0 : i32
    %dma_start3A_31 = tpu.memref_slice %arg6[%dma_start3A_29, %dma_start3A_30] : memref<512x128xf32, #tpu.memory_space<vmem>> -> memref<64x128xf32, #tpu.memory_space<vmem>>
    %dma_start3A_32 = arith.constant 0 : i32
    %dma_start3A_33 = tpu.memref_slice %arg5[%dma_start3A_28, %dma_start3A_32] : memref<8x64xi32, #tpu.memory_space<vmem>> -> memref<1x64xi32, #tpu.memory_space<vmem>>
    %dma_start3A_34 = tpu.memref_squeeze %dma_start3A_33 : memref<1x64xi32, #tpu.memory_space<vmem>> -> memref<64xi32, #tpu.memory_space<vmem>>
    %dma_start3A_35 = arith.constant 0 : i32
    %dma_start3A_36 = arith.constant 0 : i32
    %dma_start3A_37 = tpu.memref_slice %arg7[%dma_start3A_35, %dma_start3A_36] : memref<1000x128xf32, #tpu.memory_space<vmem_shared>> -> memref<1000x128xf32, #tpu.memory_space<vmem_shared>>
    tpu.enqueue_indirect_dma source(%dma_start3A_37 : memref<1000x128xf32, #tpu.memory_space<vmem_shared>>) target(%dma_start3A_31 : memref<64x128xf32, #tpu.memory_space<vmem>>) offsets(%dma_start3A_34 : memref<64xi32, #tpu.memory_space<vmem>>) semaphore(%arg10 : memref<!tpu.dma_semaphore, #tpu.memory_space<semaphore_mem>>)
    %dma_start3A_38 = arith.constant 3 : i32
    %dma_start3A_39 = arith.constant 192 : i32
    %dma_start3A_40 = arith.constant 0 : i32
    %dma_start3A_41 = tpu.memref_slice %arg6[%dma_start3A_39, %dma_start3A_40] : memref<512x128xf32, #tpu.memory_space<vmem>> -> memref<64x128xf32, #tpu.memory_space<vmem>>
    %dma_start3A_42 = arith.constant 0 : i32
    %dma_start3A_43 = tpu.memref_slice %arg5[%dma_start3A_38, %dma_start3A_42] : memref<8x64xi32, #tpu.memory_space<vmem>> -> memref<1x64xi32, #tpu.memory_space<vmem>>
    %dma_start3A_44 = tpu.memref_squeeze %dma_start3A_43 : memref<1x64xi32, #tpu.memory_space<vmem>> -> memref<64xi32, #tpu.memory_space<vmem>>
    %dma_start3A_45 = arith.constant 0 : i32
    %dma_start3A_46 = arith.constant 0 : i32
    %dma_start3A_47 = tpu.memref_slice %arg7[%dma_start3A_45, %dma_start3A_46] : memref<1000x128xf32, #tpu.memory_space<vmem_shared>> -> memref<1000x128xf32, #tpu.memory_space<vmem_shared>>
    tpu.enqueue_indirect_dma source(%dma_start3A_47 : memref<1000x128xf32, #tpu.memory_space<vmem_shared>>) target(%dma_start3A_41 : memref<64x128xf32, #tpu.memory_space<vmem>>) offsets(%dma_start3A_44 : memref<64xi32, #tpu.memory_space<vmem>>) semaphore(%arg11 : memref<!tpu.dma_semaphore, #tpu.memory_space<semaphore_mem>>)
    %dma_start3A_48 = arith.constant 4 : i32
    %dma_start3A_49 = arith.constant 256 : i32
    %dma_start3A_50 = arith.constant 0 : i32
    %dma_start3A_51 = tpu.memref_slice %arg6[%dma_start3A_49, %dma_start3A_50] : memref<512x128xf32, #tpu.memory_space<vmem>> -> memref<64x128xf32, #tpu.memory_space<vmem>>
    %dma_start3A_52 = arith.constant 0 : i32
    %dma_start3A_53 = tpu.memref_slice %arg5[%dma_start3A_48, %dma_start3A_52] : memref<8x64xi32, #tpu.memory_space<vmem>> -> memref<1x64xi32, #tpu.memory_space<vmem>>
    %dma_start3A_54 = tpu.memref_squeeze %dma_start3A_53 : memref<1x64xi32, #tpu.memory_space<vmem>> -> memref<64xi32, #tpu.memory_space<vmem>>
    %dma_start3A_55 = arith.constant 0 : i32
    %dma_start3A_56 = arith.constant 0 : i32
    %dma_start3A_57 = tpu.memref_slice %arg7[%dma_start3A_55, %dma_start3A_56] : memref<1000x128xf32, #tpu.memory_space<vmem_shared>> -> memref<1000x128xf32, #tpu.memory_space<vmem_shared>>
    tpu.enqueue_indirect_dma source(%dma_start3A_57 : memref<1000x128xf32, #tpu.memory_space<vmem_shared>>) target(%dma_start3A_51 : memref<64x128xf32, #tpu.memory_space<vmem>>) offsets(%dma_start3A_54 : memref<64xi32, #tpu.memory_space<vmem>>) semaphore(%arg12 : memref<!tpu.dma_semaphore, #tpu.memory_space<semaphore_mem>>)
    %dma_start3A_58 = arith.constant 5 : i32
    %dma_start3A_59 = arith.constant 320 : i32
    %dma_start3A_60 = arith.constant 0 : i32
    %dma_start3A_61 = tpu.memref_slice %arg6[%dma_start3A_59, %dma_start3A_60] : memref<512x128xf32, #tpu.memory_space<vmem>> -> memref<64x128xf32, #tpu.memory_space<vmem>>
    %dma_start3A_62 = arith.constant 0 : i32
    %dma_start3A_63 = tpu.memref_slice %arg5[%dma_start3A_58, %dma_start3A_62] : memref<8x64xi32, #tpu.memory_space<vmem>> -> memref<1x64xi32, #tpu.memory_space<vmem>>
    %dma_start3A_64 = tpu.memref_squeeze %dma_start3A_63 : memref<1x64xi32, #tpu.memory_space<vmem>> -> memref<64xi32, #tpu.memory_space<vmem>>
    %dma_start3A_65 = arith.constant 0 : i32
    %dma_start3A_66 = arith.constant 0 : i32
    %dma_start3A_67 = tpu.memref_slice %arg7[%dma_start3A_65, %dma_start3A_66] : memref<1000x128xf32, #tpu.memory_space<vmem_shared>> -> memref<1000x128xf32, #tpu.memory_space<vmem_shared>>
    tpu.enqueue_indirect_dma source(%dma_start3A_67 : memref<1000x128xf32, #tpu.memory_space<vmem_shared>>) target(%dma_start3A_61 : memref<64x128xf32, #tpu.memory_space<vmem>>) offsets(%dma_start3A_64 : memref<64xi32, #tpu.memory_space<vmem>>) semaphore(%arg13 : memref<!tpu.dma_semaphore, #tpu.memory_space<semaphore_mem>>)
    %dma_start3A_68 = arith.constant 6 : i32
    %dma_start3A_69 = arith.constant 384 : i32
    %dma_start3A_70 = arith.constant 0 : i32
    %dma_start3A_71 = tpu.memref_slice %arg6[%dma_start3A_69, %dma_start3A_70] : memref<512x128xf32, #tpu.memory_space<vmem>> -> memref<64x128xf32, #tpu.memory_space<vmem>>
    %dma_start3A_72 = arith.constant 0 : i32
    %dma_start3A_73 = tpu.memref_slice %arg5[%dma_start3A_68, %dma_start3A_72] : memref<8x64xi32, #tpu.memory_space<vmem>> -> memref<1x64xi32, #tpu.memory_space<vmem>>
    %dma_start3A_74 = tpu.memref_squeeze %dma_start3A_73 : memref<1x64xi32, #tpu.memory_space<vmem>> -> memref<64xi32, #tpu.memory_space<vmem>>
    %dma_start3A_75 = arith.constant 0 : i32
    %dma_start3A_76 = arith.constant 0 : i32
    %dma_start3A_77 = tpu.memref_slice %arg7[%dma_start3A_75, %dma_start3A_76] : memref<1000x128xf32, #tpu.memory_space<vmem_shared>> -> memref<1000x128xf32, #tpu.memory_space<vmem_shared>>
    tpu.enqueue_indirect_dma source(%dma_start3A_77 : memref<1000x128xf32, #tpu.memory_space<vmem_shared>>) target(%dma_start3A_71 : memref<64x128xf32, #tpu.memory_space<vmem>>) offsets(%dma_start3A_74 : memref<64xi32, #tpu.memory_space<vmem>>) semaphore(%arg14 : memref<!tpu.dma_semaphore, #tpu.memory_space<semaphore_mem>>)
    %dma_start3A_78 = arith.constant 7 : i32
    %dma_start3A_79 = arith.constant 448 : i32
    %dma_start3A_80 = arith.constant 0 : i32
    %dma_start3A_81 = tpu.memref_slice %arg6[%dma_start3A_79, %dma_start3A_80] : memref<512x128xf32, #tpu.memory_space<vmem>> -> memref<64x128xf32, #tpu.memory_space<vmem>>
    %dma_start3A_82 = arith.constant 0 : i32
    %dma_start3A_83 = tpu.memref_slice %arg5[%dma_start3A_78, %dma_start3A_82] : memref<8x64xi32, #tpu.memory_space<vmem>> -> memref<1x64xi32, #tpu.memory_space<vmem>>
    %dma_start3A_84 = tpu.memref_squeeze %dma_start3A_83 : memref<1x64xi32, #tpu.memory_space<vmem>> -> memref<64xi32, #tpu.memory_space<vmem>>
    %dma_start3A_85 = arith.constant 0 : i32
    %dma_start3A_86 = arith.constant 0 : i32
    %dma_start3A_87 = tpu.memref_slice %arg7[%dma_start3A_85, %dma_start3A_86] : memref<1000x128xf32, #tpu.memory_space<vmem_shared>> -> memref<1000x128xf32, #tpu.memory_space<vmem_shared>>
    tpu.enqueue_indirect_dma source(%dma_start3A_87 : memref<1000x128xf32, #tpu.memory_space<vmem_shared>>) target(%dma_start3A_81 : memref<64x128xf32, #tpu.memory_space<vmem>>) offsets(%dma_start3A_84 : memref<64xi32, #tpu.memory_space<vmem>>) semaphore(%arg15 : memref<!tpu.dma_semaphore, #tpu.memory_space<semaphore_mem>>)
    %dma_wait3A = arith.constant 0 : i32
    %dma_wait3A_88 = arith.constant 0 : i32
    %dma_wait3A_89 = arith.constant 0 : i32
    %dma_wait3A_90 = tpu.memref_slice %arg6[%dma_wait3A_88, %dma_wait3A_89] : memref<512x128xf32, #tpu.memory_space<vmem>> -> memref<64x128xf32, #tpu.memory_space<vmem>>
    %dma_wait3A_91 = arith.constant 0 : i32
    %dma_wait3A_92 = tpu.memref_slice %arg5[%dma_wait3A, %dma_wait3A_91] : memref<8x64xi32, #tpu.memory_space<vmem>> -> memref<1x64xi32, #tpu.memory_space<vmem>>
    %dma_wait3A_93 = tpu.memref_squeeze %dma_wait3A_92 : memref<1x64xi32, #tpu.memory_space<vmem>> -> memref<64xi32, #tpu.memory_space<vmem>>
    %dma_wait3A_94 = arith.constant 0 : i32
    %dma_wait3A_95 = arith.constant 0 : i32
    %dma_wait3A_96 = tpu.memref_slice %arg7[%dma_wait3A_94, %dma_wait3A_95] : memref<1000x128xf32, #tpu.memory_space<vmem_shared>> -> memref<1000x128xf32, #tpu.memory_space<vmem_shared>>
    tpu.wait_indirect_dma semaphore(%arg8 : memref<!tpu.dma_semaphore, #tpu.memory_space<semaphore_mem>>) src(%dma_wait3A_96 : memref<1000x128xf32, #tpu.memory_space<vmem_shared>>) dst(%dma_wait3A_90 : memref<64x128xf32, #tpu.memory_space<vmem>>)
    %add3A_97 = arith.constant 0 : i32
    %add3A_98 = arith.addi %mul3A_2, %add3A_97 : i32
    %dma_start3A_99 = arith.constant 0 : i32
    %dma_start3A_100 = arith.constant 0 : i32
    %dma_start3A_101 = tpu.memref_slice %arg6[%dma_start3A_99, %dma_start3A_100] : memref<512x128xf32, #tpu.memory_space<vmem>> -> memref<64x128xf32, #tpu.memory_space<vmem>>
    %dma_start3A_102 = arith.constant 0 : i32
    %dma_start3A_103 = tpu.memref_slice %arg4[%add3A_98, %dma_start3A_102] : memref<16384x128xf32, #tpu.memory_space<hbm>> -> memref<64x128xf32, #tpu.memory_space<hbm>>
    %dma_start3A_104 = arith.constant 0 : i32
    %dma_start3A_105 = tpu.memref_slice %arg4[%add3A_98, %dma_start3A_104] : memref<16384x128xf32, #tpu.memory_space<hbm>> -> memref<64x128xf32, #tpu.memory_space<hbm>>
    %dma_start3A_106 = arith.constant 0 : i32
    %dma_start3A_107 = arith.constant 0 : i32
    %dma_start3A_108 = tpu.memref_slice %arg6[%dma_start3A_106, %dma_start3A_107] : memref<512x128xf32, #tpu.memory_space<vmem>> -> memref<64x128xf32, #tpu.memory_space<vmem>>
    tpu.enqueue_dma source(%dma_start3A_108 : memref<64x128xf32, #tpu.memory_space<vmem>>) target(%dma_start3A_105 : memref<64x128xf32, #tpu.memory_space<hbm>>) target_semaphore(%arg17 : memref<!tpu.dma_semaphore, #tpu.memory_space<semaphore_mem>>)
    %dma_wait3A_109 = arith.constant 1 : i32
    %dma_wait3A_110 = arith.constant 64 : i32
    %dma_wait3A_111 = arith.constant 0 : i32
    %dma_wait3A_112 = tpu.memref_slice %arg6[%dma_wait3A_110, %dma_wait3A_111] : memref<512x128xf32, #tpu.memory_space<vmem>> -> memref<64x128xf32, #tpu.memory_space<vmem>>
    %dma_wait3A_113 = arith.constant 0 : i32
    %dma_wait3A_114 = tpu.memref_slice %arg5[%dma_wait3A_109, %dma_wait3A_113] : memref<8x64xi32, #tpu.memory_space<vmem>> -> memref<1x64xi32, #tpu.memory_space<vmem>>
    %dma_wait3A_115 = tpu.memref_squeeze %dma_wait3A_114 : memref<1x64xi32, #tpu.memory_space<vmem>> -> memref<64xi32, #tpu.memory_space<vmem>>
    %dma_wait3A_116 = arith.constant 0 : i32
    %dma_wait3A_117 = arith.constant 0 : i32
    %dma_wait3A_118 = tpu.memref_slice %arg7[%dma_wait3A_116, %dma_wait3A_117] : memref<1000x128xf32, #tpu.memory_space<vmem_shared>> -> memref<1000x128xf32, #tpu.memory_space<vmem_shared>>
    tpu.wait_indirect_dma semaphore(%arg9 : memref<!tpu.dma_semaphore, #tpu.memory_space<semaphore_mem>>) src(%dma_wait3A_118 : memref<1000x128xf32, #tpu.memory_space<vmem_shared>>) dst(%dma_wait3A_112 : memref<64x128xf32, #tpu.memory_space<vmem>>)
    %add3A_119 = arith.constant 64 : i32
    %add3A_120 = arith.addi %mul3A_2, %add3A_119 : i32
    %dma_start3A_121 = arith.constant 64 : i32
    %dma_start3A_122 = arith.constant 0 : i32
    %dma_start3A_123 = tpu.memref_slice %arg6[%dma_start3A_121, %dma_start3A_122] : memref<512x128xf32, #tpu.memory_space<vmem>> -> memref<64x128xf32, #tpu.memory_space<vmem>>
    %dma_start3A_124 = arith.constant 0 : i32
    %dma_start3A_125 = tpu.memref_slice %arg4[%add3A_120, %dma_start3A_124] : memref<16384x128xf32, #tpu.memory_space<hbm>> -> memref<64x128xf32, #tpu.memory_space<hbm>>
    %dma_start3A_126 = arith.constant 0 : i32
    %dma_start3A_127 = tpu.memref_slice %arg4[%add3A_120, %dma_start3A_126] : memref<16384x128xf32, #tpu.memory_space<hbm>> -> memref<64x128xf32, #tpu.memory_space<hbm>>
    %dma_start3A_128 = arith.constant 64 : i32
    %dma_start3A_129 = arith.constant 0 : i32
    %dma_start3A_130 = tpu.memref_slice %arg6[%dma_start3A_128, %dma_start3A_129] : memref<512x128xf32, #tpu.memory_space<vmem>> -> memref<64x128xf32, #tpu.memory_space<vmem>>
    tpu.enqueue_dma source(%dma_start3A_130 : memref<64x128xf32, #tpu.memory_space<vmem>>) target(%dma_start3A_127 : memref<64x128xf32, #tpu.memory_space<hbm>>) target_semaphore(%arg17 : memref<!tpu.dma_semaphore, #tpu.memory_space<semaphore_mem>>)
    %dma_wait3A_131 = arith.constant 2 : i32
    %dma_wait3A_132 = arith.constant 128 : i32
    %dma_wait3A_133 = arith.constant 0 : i32
    %dma_wait3A_134 = tpu.memref_slice %arg6[%dma_wait3A_132, %dma_wait3A_133] : memref<512x128xf32, #tpu.memory_space<vmem>> -> memref<64x128xf32, #tpu.memory_space<vmem>>
    %dma_wait3A_135 = arith.constant 0 : i32
    %dma_wait3A_136 = tpu.memref_slice %arg5[%dma_wait3A_131, %dma_wait3A_135] : memref<8x64xi32, #tpu.memory_space<vmem>> -> memref<1x64xi32, #tpu.memory_space<vmem>>
    %dma_wait3A_137 = tpu.memref_squeeze %dma_wait3A_136 : memref<1x64xi32, #tpu.memory_space<vmem>> -> memref<64xi32, #tpu.memory_space<vmem>>
    %dma_wait3A_138 = arith.constant 0 : i32
    %dma_wait3A_139 = arith.constant 0 : i32
    %dma_wait3A_140 = tpu.memref_slice %arg7[%dma_wait3A_138, %dma_wait3A_139] : memref<1000x128xf32, #tpu.memory_space<vmem_shared>> -> memref<1000x128xf32, #tpu.memory_space<vmem_shared>>
    tpu.wait_indirect_dma semaphore(%arg10 : memref<!tpu.dma_semaphore, #tpu.memory_space<semaphore_mem>>) src(%dma_wait3A_140 : memref<1000x128xf32, #tpu.memory_space<vmem_shared>>) dst(%dma_wait3A_134 : memref<64x128xf32, #tpu.memory_space<vmem>>)
    %add3A_141 = arith.constant 128 : i32
    %add3A_142 = arith.addi %mul3A_2, %add3A_141 : i32
    %dma_start3A_143 = arith.constant 128 : i32
    %dma_start3A_144 = arith.constant 0 : i32
    %dma_start3A_145 = tpu.memref_slice %arg6[%dma_start3A_143, %dma_start3A_144] : memref<512x128xf32, #tpu.memory_space<vmem>> -> memref<64x128xf32, #tpu.memory_space<vmem>>
    %dma_start3A_146 = arith.constant 0 : i32
    %dma_start3A_147 = tpu.memref_slice %arg4[%add3A_142, %dma_start3A_146] : memref<16384x128xf32, #tpu.memory_space<hbm>> -> memref<64x128xf32, #tpu.memory_space<hbm>>
    %dma_start3A_148 = arith.constant 0 : i32
    %dma_start3A_149 = tpu.memref_slice %arg4[%add3A_142, %dma_start3A_148] : memref<16384x128xf32, #tpu.memory_space<hbm>> -> memref<64x128xf32, #tpu.memory_space<hbm>>
    %dma_start3A_150 = arith.constant 128 : i32
    %dma_start3A_151 = arith.constant 0 : i32
    %dma_start3A_152 = tpu.memref_slice %arg6[%dma_start3A_150, %dma_start3A_151] : memref<512x128xf32, #tpu.memory_space<vmem>> -> memref<64x128xf32, #tpu.memory_space<vmem>>
    tpu.enqueue_dma source(%dma_start3A_152 : memref<64x128xf32, #tpu.memory_space<vmem>>) target(%dma_start3A_149 : memref<64x128xf32, #tpu.memory_space<hbm>>) target_semaphore(%arg17 : memref<!tpu.dma_semaphore, #tpu.memory_space<semaphore_mem>>)
    %dma_wait3A_153 = arith.constant 3 : i32
    %dma_wait3A_154 = arith.constant 192 : i32
    %dma_wait3A_155 = arith.constant 0 : i32
    %dma_wait3A_156 = tpu.memref_slice %arg6[%dma_wait3A_154, %dma_wait3A_155] : memref<512x128xf32, #tpu.memory_space<vmem>> -> memref<64x128xf32, #tpu.memory_space<vmem>>
    %dma_wait3A_157 = arith.constant 0 : i32
    %dma_wait3A_158 = tpu.memref_slice %arg5[%dma_wait3A_153, %dma_wait3A_157] : memref<8x64xi32, #tpu.memory_space<vmem>> -> memref<1x64xi32, #tpu.memory_space<vmem>>
    %dma_wait3A_159 = tpu.memref_squeeze %dma_wait3A_158 : memref<1x64xi32, #tpu.memory_space<vmem>> -> memref<64xi32, #tpu.memory_space<vmem>>
    %dma_wait3A_160 = arith.constant 0 : i32
    %dma_wait3A_161 = arith.constant 0 : i32
    %dma_wait3A_162 = tpu.memref_slice %arg7[%dma_wait3A_160, %dma_wait3A_161] : memref<1000x128xf32, #tpu.memory_space<vmem_shared>> -> memref<1000x128xf32, #tpu.memory_space<vmem_shared>>
    tpu.wait_indirect_dma semaphore(%arg11 : memref<!tpu.dma_semaphore, #tpu.memory_space<semaphore_mem>>) src(%dma_wait3A_162 : memref<1000x128xf32, #tpu.memory_space<vmem_shared>>) dst(%dma_wait3A_156 : memref<64x128xf32, #tpu.memory_space<vmem>>)
    %add3A_163 = arith.constant 192 : i32
    %add3A_164 = arith.addi %mul3A_2, %add3A_163 : i32
    %dma_start3A_165 = arith.constant 192 : i32
    %dma_start3A_166 = arith.constant 0 : i32
    %dma_start3A_167 = tpu.memref_slice %arg6[%dma_start3A_165, %dma_start3A_166] : memref<512x128xf32, #tpu.memory_space<vmem>> -> memref<64x128xf32, #tpu.memory_space<vmem>>
    %dma_start3A_168 = arith.constant 0 : i32
    %dma_start3A_169 = tpu.memref_slice %arg4[%add3A_164, %dma_start3A_168] : memref<16384x128xf32, #tpu.memory_space<hbm>> -> memref<64x128xf32, #tpu.memory_space<hbm>>
    %dma_start3A_170 = arith.constant 0 : i32
    %dma_start3A_171 = tpu.memref_slice %arg4[%add3A_164, %dma_start3A_170] : memref<16384x128xf32, #tpu.memory_space<hbm>> -> memref<64x128xf32, #tpu.memory_space<hbm>>
    %dma_start3A_172 = arith.constant 192 : i32
    %dma_start3A_173 = arith.constant 0 : i32
    %dma_start3A_174 = tpu.memref_slice %arg6[%dma_start3A_172, %dma_start3A_173] : memref<512x128xf32, #tpu.memory_space<vmem>> -> memref<64x128xf32, #tpu.memory_space<vmem>>
    tpu.enqueue_dma source(%dma_start3A_174 : memref<64x128xf32, #tpu.memory_space<vmem>>) target(%dma_start3A_171 : memref<64x128xf32, #tpu.memory_space<hbm>>) target_semaphore(%arg17 : memref<!tpu.dma_semaphore, #tpu.memory_space<semaphore_mem>>)
    %dma_wait3A_175 = arith.constant 4 : i32
    %dma_wait3A_176 = arith.constant 256 : i32
    %dma_wait3A_177 = arith.constant 0 : i32
    %dma_wait3A_178 = tpu.memref_slice %arg6[%dma_wait3A_176, %dma_wait3A_177] : memref<512x128xf32, #tpu.memory_space<vmem>> -> memref<64x128xf32, #tpu.memory_space<vmem>>
    %dma_wait3A_179 = arith.constant 0 : i32
    %dma_wait3A_180 = tpu.memref_slice %arg5[%dma_wait3A_175, %dma_wait3A_179] : memref<8x64xi32, #tpu.memory_space<vmem>> -> memref<1x64xi32, #tpu.memory_space<vmem>>
    %dma_wait3A_181 = tpu.memref_squeeze %dma_wait3A_180 : memref<1x64xi32, #tpu.memory_space<vmem>> -> memref<64xi32, #tpu.memory_space<vmem>>
    %dma_wait3A_182 = arith.constant 0 : i32
    %dma_wait3A_183 = arith.constant 0 : i32
    %dma_wait3A_184 = tpu.memref_slice %arg7[%dma_wait3A_182, %dma_wait3A_183] : memref<1000x128xf32, #tpu.memory_space<vmem_shared>> -> memref<1000x128xf32, #tpu.memory_space<vmem_shared>>
    tpu.wait_indirect_dma semaphore(%arg12 : memref<!tpu.dma_semaphore, #tpu.memory_space<semaphore_mem>>) src(%dma_wait3A_184 : memref<1000x128xf32, #tpu.memory_space<vmem_shared>>) dst(%dma_wait3A_178 : memref<64x128xf32, #tpu.memory_space<vmem>>)
    %add3A_185 = arith.constant 256 : i32
    %add3A_186 = arith.addi %mul3A_2, %add3A_185 : i32
    %dma_start3A_187 = arith.constant 256 : i32
    %dma_start3A_188 = arith.constant 0 : i32
    %dma_start3A_189 = tpu.memref_slice %arg6[%dma_start3A_187, %dma_start3A_188] : memref<512x128xf32, #tpu.memory_space<vmem>> -> memref<64x128xf32, #tpu.memory_space<vmem>>
    %dma_start3A_190 = arith.constant 0 : i32
    %dma_start3A_191 = tpu.memref_slice %arg4[%add3A_186, %dma_start3A_190] : memref<16384x128xf32, #tpu.memory_space<hbm>> -> memref<64x128xf32, #tpu.memory_space<hbm>>
    %dma_start3A_192 = arith.constant 0 : i32
    %dma_start3A_193 = tpu.memref_slice %arg4[%add3A_186, %dma_start3A_192] : memref<16384x128xf32, #tpu.memory_space<hbm>> -> memref<64x128xf32, #tpu.memory_space<hbm>>
    %dma_start3A_194 = arith.constant 256 : i32
    %dma_start3A_195 = arith.constant 0 : i32
    %dma_start3A_196 = tpu.memref_slice %arg6[%dma_start3A_194, %dma_start3A_195] : memref<512x128xf32, #tpu.memory_space<vmem>> -> memref<64x128xf32, #tpu.memory_space<vmem>>
    tpu.enqueue_dma source(%dma_start3A_196 : memref<64x128xf32, #tpu.memory_space<vmem>>) target(%dma_start3A_193 : memref<64x128xf32, #tpu.memory_space<hbm>>) target_semaphore(%arg17 : memref<!tpu.dma_semaphore, #tpu.memory_space<semaphore_mem>>)
    %dma_wait3A_197 = arith.constant 5 : i32
    %dma_wait3A_198 = arith.constant 320 : i32
    %dma_wait3A_199 = arith.constant 0 : i32
    %dma_wait3A_200 = tpu.memref_slice %arg6[%dma_wait3A_198, %dma_wait3A_199] : memref<512x128xf32, #tpu.memory_space<vmem>> -> memref<64x128xf32, #tpu.memory_space<vmem>>
    %dma_wait3A_201 = arith.constant 0 : i32
    %dma_wait3A_202 = tpu.memref_slice %arg5[%dma_wait3A_197, %dma_wait3A_201] : memref<8x64xi32, #tpu.memory_space<vmem>> -> memref<1x64xi32, #tpu.memory_space<vmem>>
    %dma_wait3A_203 = tpu.memref_squeeze %dma_wait3A_202 : memref<1x64xi32, #tpu.memory_space<vmem>> -> memref<64xi32, #tpu.memory_space<vmem>>
    %dma_wait3A_204 = arith.constant 0 : i32
    %dma_wait3A_205 = arith.constant 0 : i32
    %dma_wait3A_206 = tpu.memref_slice %arg7[%dma_wait3A_204, %dma_wait3A_205] : memref<1000x128xf32, #tpu.memory_space<vmem_shared>> -> memref<1000x128xf32, #tpu.memory_space<vmem_shared>>
    tpu.wait_indirect_dma semaphore(%arg13 : memref<!tpu.dma_semaphore, #tpu.memory_space<semaphore_mem>>) src(%dma_wait3A_206 : memref<1000x128xf32, #tpu.memory_space<vmem_shared>>) dst(%dma_wait3A_200 : memref<64x128xf32, #tpu.memory_space<vmem>>)
    %add3A_207 = arith.constant 320 : i32
    %add3A_208 = arith.addi %mul3A_2, %add3A_207 : i32
    %dma_start3A_209 = arith.constant 320 : i32
    %dma_start3A_210 = arith.constant 0 : i32
    %dma_start3A_211 = tpu.memref_slice %arg6[%dma_start3A_209, %dma_start3A_210] : memref<512x128xf32, #tpu.memory_space<vmem>> -> memref<64x128xf32, #tpu.memory_space<vmem>>
    %dma_start3A_212 = arith.constant 0 : i32
    %dma_start3A_213 = tpu.memref_slice %arg4[%add3A_208, %dma_start3A_212] : memref<16384x128xf32, #tpu.memory_space<hbm>> -> memref<64x128xf32, #tpu.memory_space<hbm>>
    %dma_start3A_214 = arith.constant 0 : i32
    %dma_start3A_215 = tpu.memref_slice %arg4[%add3A_208, %dma_start3A_214] : memref<16384x128xf32, #tpu.memory_space<hbm>> -> memref<64x128xf32, #tpu.memory_space<hbm>>
    %dma_start3A_216 = arith.constant 320 : i32
    %dma_start3A_217 = arith.constant 0 : i32
    %dma_start3A_218 = tpu.memref_slice %arg6[%dma_start3A_216, %dma_start3A_217] : memref<512x128xf32, #tpu.memory_space<vmem>> -> memref<64x128xf32, #tpu.memory_space<vmem>>
    tpu.enqueue_dma source(%dma_start3A_218 : memref<64x128xf32, #tpu.memory_space<vmem>>) target(%dma_start3A_215 : memref<64x128xf32, #tpu.memory_space<hbm>>) target_semaphore(%arg17 : memref<!tpu.dma_semaphore, #tpu.memory_space<semaphore_mem>>)
    %dma_wait3A_219 = arith.constant 6 : i32
    %dma_wait3A_220 = arith.constant 384 : i32
    %dma_wait3A_221 = arith.constant 0 : i32
    %dma_wait3A_222 = tpu.memref_slice %arg6[%dma_wait3A_220, %dma_wait3A_221] : memref<512x128xf32, #tpu.memory_space<vmem>> -> memref<64x128xf32, #tpu.memory_space<vmem>>
    %dma_wait3A_223 = arith.constant 0 : i32
    %dma_wait3A_224 = tpu.memref_slice %arg5[%dma_wait3A_219, %dma_wait3A_223] : memref<8x64xi32, #tpu.memory_space<vmem>> -> memref<1x64xi32, #tpu.memory_space<vmem>>
    %dma_wait3A_225 = tpu.memref_squeeze %dma_wait3A_224 : memref<1x64xi32, #tpu.memory_space<vmem>> -> memref<64xi32, #tpu.memory_space<vmem>>
    %dma_wait3A_226 = arith.constant 0 : i32
    %dma_wait3A_227 = arith.constant 0 : i32
    %dma_wait3A_228 = tpu.memref_slice %arg7[%dma_wait3A_226, %dma_wait3A_227] : memref<1000x128xf32, #tpu.memory_space<vmem_shared>> -> memref<1000x128xf32, #tpu.memory_space<vmem_shared>>
    tpu.wait_indirect_dma semaphore(%arg14 : memref<!tpu.dma_semaphore, #tpu.memory_space<semaphore_mem>>) src(%dma_wait3A_228 : memref<1000x128xf32, #tpu.memory_space<vmem_shared>>) dst(%dma_wait3A_222 : memref<64x128xf32, #tpu.memory_space<vmem>>)
    %add3A_229 = arith.constant 384 : i32
    %add3A_230 = arith.addi %mul3A_2, %add3A_229 : i32
    %dma_start3A_231 = arith.constant 384 : i32
    %dma_start3A_232 = arith.constant 0 : i32
    %dma_start3A_233 = tpu.memref_slice %arg6[%dma_start3A_231, %dma_start3A_232] : memref<512x128xf32, #tpu.memory_space<vmem>> -> memref<64x128xf32, #tpu.memory_space<vmem>>
    %dma_start3A_234 = arith.constant 0 : i32
    %dma_start3A_235 = tpu.memref_slice %arg4[%add3A_230, %dma_start3A_234] : memref<16384x128xf32, #tpu.memory_space<hbm>> -> memref<64x128xf32, #tpu.memory_space<hbm>>
    %dma_start3A_236 = arith.constant 0 : i32
    %dma_start3A_237 = tpu.memref_slice %arg4[%add3A_230, %dma_start3A_236] : memref<16384x128xf32, #tpu.memory_space<hbm>> -> memref<64x128xf32, #tpu.memory_space<hbm>>
    %dma_start3A_238 = arith.constant 384 : i32
    %dma_start3A_239 = arith.constant 0 : i32
    %dma_start3A_240 = tpu.memref_slice %arg6[%dma_start3A_238, %dma_start3A_239] : memref<512x128xf32, #tpu.memory_space<vmem>> -> memref<64x128xf32, #tpu.memory_space<vmem>>
    tpu.enqueue_dma source(%dma_start3A_240 : memref<64x128xf32, #tpu.memory_space<vmem>>) target(%dma_start3A_237 : memref<64x128xf32, #tpu.memory_space<hbm>>) target_semaphore(%arg17 : memref<!tpu.dma_semaphore, #tpu.memory_space<semaphore_mem>>)
    %dma_wait3A_241 = arith.constant 7 : i32
    %dma_wait3A_242 = arith.constant 448 : i32
    %dma_wait3A_243 = arith.constant 0 : i32
    %dma_wait3A_244 = tpu.memref_slice %arg6[%dma_wait3A_242, %dma_wait3A_243] : memref<512x128xf32, #tpu.memory_space<vmem>> -> memref<64x128xf32, #tpu.memory_space<vmem>>
    %dma_wait3A_245 = arith.constant 0 : i32
    %dma_wait3A_246 = tpu.memref_slice %arg5[%dma_wait3A_241, %dma_wait3A_245] : memref<8x64xi32, #tpu.memory_space<vmem>> -> memref<1x64xi32, #tpu.memory_space<vmem>>
    %dma_wait3A_247 = tpu.memref_squeeze %dma_wait3A_246 : memref<1x64xi32, #tpu.memory_space<vmem>> -> memref<64xi32, #tpu.memory_space<vmem>>
    %dma_wait3A_248 = arith.constant 0 : i32
    %dma_wait3A_249 = arith.constant 0 : i32
    %dma_wait3A_250 = tpu.memref_slice %arg7[%dma_wait3A_248, %dma_wait3A_249] : memref<1000x128xf32, #tpu.memory_space<vmem_shared>> -> memref<1000x128xf32, #tpu.memory_space<vmem_shared>>
    tpu.wait_indirect_dma semaphore(%arg15 : memref<!tpu.dma_semaphore, #tpu.memory_space<semaphore_mem>>) src(%dma_wait3A_250 : memref<1000x128xf32, #tpu.memory_space<vmem_shared>>) dst(%dma_wait3A_244 : memref<64x128xf32, #tpu.memory_space<vmem>>)
    %add3A_251 = arith.constant 448 : i32
    %add3A_252 = arith.addi %mul3A_2, %add3A_251 : i32
    %dma_start3A_253 = arith.constant 448 : i32
    %dma_start3A_254 = arith.constant 0 : i32
    %dma_start3A_255 = tpu.memref_slice %arg6[%dma_start3A_253, %dma_start3A_254] : memref<512x128xf32, #tpu.memory_space<vmem>> -> memref<64x128xf32, #tpu.memory_space<vmem>>
    %dma_start3A_256 = arith.constant 0 : i32
    %dma_start3A_257 = tpu.memref_slice %arg4[%add3A_252, %dma_start3A_256] : memref<16384x128xf32, #tpu.memory_space<hbm>> -> memref<64x128xf32, #tpu.memory_space<hbm>>
    %dma_start3A_258 = arith.constant 0 : i32
    %dma_start3A_259 = tpu.memref_slice %arg4[%add3A_252, %dma_start3A_258] : memref<16384x128xf32, #tpu.memory_space<hbm>> -> memref<64x128xf32, #tpu.memory_space<hbm>>
    %dma_start3A_260 = arith.constant 448 : i32
    %dma_start3A_261 = arith.constant 0 : i32
    %dma_start3A_262 = tpu.memref_slice %arg6[%dma_start3A_260, %dma_start3A_261] : memref<512x128xf32, #tpu.memory_space<vmem>> -> memref<64x128xf32, #tpu.memory_space<vmem>>
    tpu.enqueue_dma source(%dma_start3A_262 : memref<64x128xf32, #tpu.memory_space<vmem>>) target(%dma_start3A_259 : memref<64x128xf32, #tpu.memory_space<hbm>>) target_semaphore(%arg17 : memref<!tpu.dma_semaphore, #tpu.memory_space<semaphore_mem>>)
    %dma_wait3A_263 = arith.constant 0 : i32
    %dma_wait3A_264 = arith.constant 0 : i32
    %dma_wait3A_265 = tpu.memref_slice %arg6[%dma_wait3A_263, %dma_wait3A_264] : memref<512x128xf32, #tpu.memory_space<vmem>> -> memref<64x128xf32, #tpu.memory_space<vmem>>
    %dma_wait3A_266 = arith.constant 0 : i32
    %dma_wait3A_267 = tpu.memref_slice %arg4[%add3A_98, %dma_wait3A_266] : memref<16384x128xf32, #tpu.memory_space<hbm>> -> memref<64x128xf32, #tpu.memory_space<hbm>>
    %dma_wait3A_268 = arith.constant 0 : i32
    %dma_wait3A_269 = tpu.memref_slice %arg4[%add3A_98, %dma_wait3A_268] : memref<16384x128xf32, #tpu.memory_space<hbm>> -> memref<64x128xf32, #tpu.memory_space<hbm>>
    %dma_wait3A_270 = arith.constant 0 : i32
    %dma_wait3A_271 = arith.constant 0 : i32
    %dma_wait3A_272 = tpu.memref_slice %arg6[%dma_wait3A_270, %dma_wait3A_271] : memref<512x128xf32, #tpu.memory_space<vmem>> -> memref<64x128xf32, #tpu.memory_space<vmem>>
    tpu.wait_dma2 semaphore(%arg17 : memref<!tpu.dma_semaphore, #tpu.memory_space<semaphore_mem>>) src(%dma_wait3A_272 : memref<64x128xf32, #tpu.memory_space<vmem>>) dst(%dma_wait3A_269 : memref<64x128xf32, #tpu.memory_space<hbm>>)
    %dma_wait3A_273 = arith.constant 64 : i32
    %dma_wait3A_274 = arith.constant 0 : i32
    %dma_wait3A_275 = tpu.memref_slice %arg6[%dma_wait3A_273, %dma_wait3A_274] : memref<512x128xf32, #tpu.memory_space<vmem>> -> memref<64x128xf32, #tpu.memory_space<vmem>>
    %dma_wait3A_276 = arith.constant 0 : i32
    %dma_wait3A_277 = tpu.memref_slice %arg4[%add3A_120, %dma_wait3A_276] : memref<16384x128xf32, #tpu.memory_space<hbm>> -> memref<64x128xf32, #tpu.memory_space<hbm>>
    %dma_wait3A_278 = arith.constant 0 : i32
    %dma_wait3A_279 = tpu.memref_slice %arg4[%add3A_120, %dma_wait3A_278] : memref<16384x128xf32, #tpu.memory_space<hbm>> -> memref<64x128xf32, #tpu.memory_space<hbm>>
    %dma_wait3A_280 = arith.constant 64 : i32
    %dma_wait3A_281 = arith.constant 0 : i32
    %dma_wait3A_282 = tpu.memref_slice %arg6[%dma_wait3A_280, %dma_wait3A_281] : memref<512x128xf32, #tpu.memory_space<vmem>> -> memref<64x128xf32, #tpu.memory_space<vmem>>
    tpu.wait_dma2 semaphore(%arg17 : memref<!tpu.dma_semaphore, #tpu.memory_space<semaphore_mem>>) src(%dma_wait3A_282 : memref<64x128xf32, #tpu.memory_space<vmem>>) dst(%dma_wait3A_279 : memref<64x128xf32, #tpu.memory_space<hbm>>)
    %dma_wait3A_283 = arith.constant 128 : i32
    %dma_wait3A_284 = arith.constant 0 : i32
    %dma_wait3A_285 = tpu.memref_slice %arg6[%dma_wait3A_283, %dma_wait3A_284] : memref<512x128xf32, #tpu.memory_space<vmem>> -> memref<64x128xf32, #tpu.memory_space<vmem>>
    %dma_wait3A_286 = arith.constant 0 : i32
    %dma_wait3A_287 = tpu.memref_slice %arg4[%add3A_142, %dma_wait3A_286] : memref<16384x128xf32, #tpu.memory_space<hbm>> -> memref<64x128xf32, #tpu.memory_space<hbm>>
    %dma_wait3A_288 = arith.constant 0 : i32
    %dma_wait3A_289 = tpu.memref_slice %arg4[%add3A_142, %dma_wait3A_288] : memref<16384x128xf32, #tpu.memory_space<hbm>> -> memref<64x128xf32, #tpu.memory_space<hbm>>
    %dma_wait3A_290 = arith.constant 128 : i32
    %dma_wait3A_291 = arith.constant 0 : i32
    %dma_wait3A_292 = tpu.memref_slice %arg6[%dma_wait3A_290, %dma_wait3A_291] : memref<512x128xf32, #tpu.memory_space<vmem>> -> memref<64x128xf32, #tpu.memory_space<vmem>>
    tpu.wait_dma2 semaphore(%arg17 : memref<!tpu.dma_semaphore, #tpu.memory_space<semaphore_mem>>) src(%dma_wait3A_292 : memref<64x128xf32, #tpu.memory_space<vmem>>) dst(%dma_wait3A_289 : memref<64x128xf32, #tpu.memory_space<hbm>>)
    %dma_wait3A_293 = arith.constant 192 : i32
    %dma_wait3A_294 = arith.constant 0 : i32
    %dma_wait3A_295 = tpu.memref_slice %arg6[%dma_wait3A_293, %dma_wait3A_294] : memref<512x128xf32, #tpu.memory_space<vmem>> -> memref<64x128xf32, #tpu.memory_space<vmem>>
    %dma_wait3A_296 = arith.constant 0 : i32
    %dma_wait3A_297 = tpu.memref_slice %arg4[%add3A_164, %dma_wait3A_296] : memref<16384x128xf32, #tpu.memory_space<hbm>> -> memref<64x128xf32, #tpu.memory_space<hbm>>
    %dma_wait3A_298 = arith.constant 0 : i32
    %dma_wait3A_299 = tpu.memref_slice %arg4[%add3A_164, %dma_wait3A_298] : memref<16384x128xf32, #tpu.memory_space<hbm>> -> memref<64x128xf32, #tpu.memory_space<hbm>>
    %dma_wait3A_300 = arith.constant 192 : i32
    %dma_wait3A_301 = arith.constant 0 : i32
    %dma_wait3A_302 = tpu.memref_slice %arg6[%dma_wait3A_300, %dma_wait3A_301] : memref<512x128xf32, #tpu.memory_space<vmem>> -> memref<64x128xf32, #tpu.memory_space<vmem>>
    tpu.wait_dma2 semaphore(%arg17 : memref<!tpu.dma_semaphore, #tpu.memory_space<semaphore_mem>>) src(%dma_wait3A_302 : memref<64x128xf32, #tpu.memory_space<vmem>>) dst(%dma_wait3A_299 : memref<64x128xf32, #tpu.memory_space<hbm>>)
    %dma_wait3A_303 = arith.constant 256 : i32
    %dma_wait3A_304 = arith.constant 0 : i32
    %dma_wait3A_305 = tpu.memref_slice %arg6[%dma_wait3A_303, %dma_wait3A_304] : memref<512x128xf32, #tpu.memory_space<vmem>> -> memref<64x128xf32, #tpu.memory_space<vmem>>
    %dma_wait3A_306 = arith.constant 0 : i32
    %dma_wait3A_307 = tpu.memref_slice %arg4[%add3A_186, %dma_wait3A_306] : memref<16384x128xf32, #tpu.memory_space<hbm>> -> memref<64x128xf32, #tpu.memory_space<hbm>>
    %dma_wait3A_308 = arith.constant 0 : i32
    %dma_wait3A_309 = tpu.memref_slice %arg4[%add3A_186, %dma_wait3A_308] : memref<16384x128xf32, #tpu.memory_space<hbm>> -> memref<64x128xf32, #tpu.memory_space<hbm>>
    %dma_wait3A_310 = arith.constant 256 : i32
    %dma_wait3A_311 = arith.constant 0 : i32
    %dma_wait3A_312 = tpu.memref_slice %arg6[%dma_wait3A_310, %dma_wait3A_311] : memref<512x128xf32, #tpu.memory_space<vmem>> -> memref<64x128xf32, #tpu.memory_space<vmem>>
    tpu.wait_dma2 semaphore(%arg17 : memref<!tpu.dma_semaphore, #tpu.memory_space<semaphore_mem>>) src(%dma_wait3A_312 : memref<64x128xf32, #tpu.memory_space<vmem>>) dst(%dma_wait3A_309 : memref<64x128xf32, #tpu.memory_space<hbm>>)
    %dma_wait3A_313 = arith.constant 320 : i32
    %dma_wait3A_314 = arith.constant 0 : i32
    %dma_wait3A_315 = tpu.memref_slice %arg6[%dma_wait3A_313, %dma_wait3A_314] : memref<512x128xf32, #tpu.memory_space<vmem>> -> memref<64x128xf32, #tpu.memory_space<vmem>>
    %dma_wait3A_316 = arith.constant 0 : i32
    %dma_wait3A_317 = tpu.memref_slice %arg4[%add3A_208, %dma_wait3A_316] : memref<16384x128xf32, #tpu.memory_space<hbm>> -> memref<64x128xf32, #tpu.memory_space<hbm>>
    %dma_wait3A_318 = arith.constant 0 : i32
    %dma_wait3A_319 = tpu.memref_slice %arg4[%add3A_208, %dma_wait3A_318] : memref<16384x128xf32, #tpu.memory_space<hbm>> -> memref<64x128xf32, #tpu.memory_space<hbm>>
    %dma_wait3A_320 = arith.constant 320 : i32
    %dma_wait3A_321 = arith.constant 0 : i32
    %dma_wait3A_322 = tpu.memref_slice %arg6[%dma_wait3A_320, %dma_wait3A_321] : memref<512x128xf32, #tpu.memory_space<vmem>> -> memref<64x128xf32, #tpu.memory_space<vmem>>
    tpu.wait_dma2 semaphore(%arg17 : memref<!tpu.dma_semaphore, #tpu.memory_space<semaphore_mem>>) src(%dma_wait3A_322 : memref<64x128xf32, #tpu.memory_space<vmem>>) dst(%dma_wait3A_319 : memref<64x128xf32, #tpu.memory_space<hbm>>)
    %dma_wait3A_323 = arith.constant 384 : i32
    %dma_wait3A_324 = arith.constant 0 : i32
    %dma_wait3A_325 = tpu.memref_slice %arg6[%dma_wait3A_323, %dma_wait3A_324] : memref<512x128xf32, #tpu.memory_space<vmem>> -> memref<64x128xf32, #tpu.memory_space<vmem>>
    %dma_wait3A_326 = arith.constant 0 : i32
    %dma_wait3A_327 = tpu.memref_slice %arg4[%add3A_230, %dma_wait3A_326] : memref<16384x128xf32, #tpu.memory_space<hbm>> -> memref<64x128xf32, #tpu.memory_space<hbm>>
    %dma_wait3A_328 = arith.constant 0 : i32
    %dma_wait3A_329 = tpu.memref_slice %arg4[%add3A_230, %dma_wait3A_328] : memref<16384x128xf32, #tpu.memory_space<hbm>> -> memref<64x128xf32, #tpu.memory_space<hbm>>
    %dma_wait3A_330 = arith.constant 384 : i32
    %dma_wait3A_331 = arith.constant 0 : i32
    %dma_wait3A_332 = tpu.memref_slice %arg6[%dma_wait3A_330, %dma_wait3A_331] : memref<512x128xf32, #tpu.memory_space<vmem>> -> memref<64x128xf32, #tpu.memory_space<vmem>>
    tpu.wait_dma2 semaphore(%arg17 : memref<!tpu.dma_semaphore, #tpu.memory_space<semaphore_mem>>) src(%dma_wait3A_332 : memref<64x128xf32, #tpu.memory_space<vmem>>) dst(%dma_wait3A_329 : memref<64x128xf32, #tpu.memory_space<hbm>>)
    %dma_wait3A_333 = arith.constant 448 : i32
    %dma_wait3A_334 = arith.constant 0 : i32
    %dma_wait3A_335 = tpu.memref_slice %arg6[%dma_wait3A_333, %dma_wait3A_334] : memref<512x128xf32, #tpu.memory_space<vmem>> -> memref<64x128xf32, #tpu.memory_space<vmem>>
    %dma_wait3A_336 = arith.constant 0 : i32
    %dma_wait3A_337 = tpu.memref_slice %arg4[%add3A_252, %dma_wait3A_336] : memref<16384x128xf32, #tpu.memory_space<hbm>> -> memref<64x128xf32, #tpu.memory_space<hbm>>
    %dma_wait3A_338 = arith.constant 0 : i32
    %dma_wait3A_339 = tpu.memref_slice %arg4[%add3A_252, %dma_wait3A_338] : memref<16384x128xf32, #tpu.memory_space<hbm>> -> memref<64x128xf32, #tpu.memory_space<hbm>>
    %dma_wait3A_340 = arith.constant 448 : i32
    %dma_wait3A_341 = arith.constant 0 : i32
    %dma_wait3A_342 = tpu.memref_slice %arg6[%dma_wait3A_340, %dma_wait3A_341] : memref<512x128xf32, #tpu.memory_space<vmem>> -> memref<64x128xf32, #tpu.memory_space<vmem>>
    tpu.wait_dma2 semaphore(%arg17 : memref<!tpu.dma_semaphore, #tpu.memory_space<semaphore_mem>>) src(%dma_wait3A_342 : memref<64x128xf32, #tpu.memory_space<vmem>>) dst(%dma_wait3A_339 : memref<64x128xf32, #tpu.memory_space<hbm>>)
    return
  }
}

</mosaic_0001>

<sc_bundles>
// kernel: kernel.3.cloned.1.call-start
scs
__scs_entry_jumppad:
0x0: {  	(pc) =	sbr.rel $0x88, $3  }
0x1: {  	(tag) =	ssettag $0x0;
	lr =	simm.s32 $0x1  }
0x2: {  	[smem:$0x3F9F] =	sst lr;
	_ =	strace $0xD0000000  }
0x3: {  	_ = 	snop  }
0x4: {  	_ = 	snop  }
0x5: {  	_ = 	snop  }
0x6: {  	_ = 	snop  }
0x7: {  	_ = 	snop  }
__scs_overlays_trampoline_lowered:
0x8: {  	[smem:$0x3FAE] =	sst s0  }
0x9: {  	[smem:$0x3FAF] =	sst s1  }
0xa: {  	[smem:$0x3FB0] =	sst s2  }
0xb: {  	[smem:$0x3FB1] =	sst s3  }
0xc: {  	[smem:$0x3FB2] =	sst s4  }
0xd: {  	[smem:$0x3FB3] =	sst s5  }
0xe: {  	[smem:$0x3FB4] =	sst s6  }
0xf: {  	[smem:$0x3FB5] =	sst s7  }
0x10: {  	[smem:$0x3FB6] =	sst s8  }
0x11: {  	[smem:$0x3FB7] =	sst s9;
	s0 =	simm.s32 @!p0 $0x0  }
0x12: {  	s1 =	sld [smem:$0x3F9D];
	s0 =	simm.s32 @p0 $0x1  }
0x13: {  	[smem:$0x3FB8] =	sst s0;
	s0 =	simm.s32 @!p1 $0x0  }
0x14: {  	s2 =	sld [smem:$0x3F9C];
	s0 =	simm.s32 @p1 $0x1  }
0x15: {  	[smem:$0x3FB9] =	sst s0;
	s0 =	simm.s32 @!p2 $0x0  }
0x16: {  	s3 =	sld [smem:$0x3FDB];
	s0 =	simm.s32 @p2 $0x1  }
0x17: {  	s4 =	simm.s32 $0x1BF5;
	[smem:$0x3FBB] =	sst s0  }
0x18: {  	s0 =	sld [smem:$0x3F9E];
	_ =	swait.ge [sflag:s4], $0x0  }
0x19: {  	s7 =	sld [smem:$0x3F9F]  }
0x1a: {  	s8 =	sadd.s32 $0xFFFFE003, lr  }
0x1b: {  	s9 =	sadd.s32 $0xFFFFFEF7, lr;
	s5 =	simm.s32 $0xFFFFFFFF;
	p2 =	slt.u32 s8, $0xFFFFF086  }
0x1c: {  	p1 =	slt.u32 s9, $0xF7A;
	s5 =	simm.s32 @!p2 $0x0  }
0x1d: {  	s5 =	simm.s32 @p1 $0x1;
	p0 =	seq.s32 s7, s2  }
0x1e: {  	s7 =	smul.u32 @!p0 $0xF7A, s2;
	p2 =	seq.s32 @!p0 s5, $0x0  }
0x1f: {  	s9 =	smul.u32 $0xF7A, s1;
	s8 =	simm.s32 @!p0 $0x1BF5;
	p2 =	por !p2, p0  }
0x20: {  	[sflag:s8] =	ssyncset.s32 @!p0 $0xFFFFF086;
	s6 =	sadd.s32 @!p0 s3, s7;
	s7 =	simm.s32 @!p0 $0x108  }
0x21: {  	s3 =	sadd.s32 s3, s9;
	s6 =	sadd.s32 @!p0 $0x88, s6;
	s7 =	simm.s32 @p2 $0x1082  }
0x22: {  	[simem:s7], [sflag:s8] =	dma.local @!p0 [hbm:s6], $0xF7A  }
0x23: {  	s9 =	sor.u32 $0xD0000000, s2;
	s6 =	simm.s32 $0x108;
	_ =	swait.ge @!p0 [sflag:s8], $0x0  }
0x24: {  	s3 =	sadd.s32 $0x88, s3;
	s6 =	simm.s32 @!p1 $0x1082;
	[sflag:s4] =	ssyncset.s32 $0xFFFFF086  }
0x25: {  	[simem:s6], [sflag:s4] =	dma.local [hbm:s3], $0xF7A  }
0x26: {  	[smem:$0x3F9F] =	sst s1;
	(tag) =	ssettag s2;
	_ =	strace s9  }
0x27: {  	s1 =	sld [smem:$0x3FAF]  }
0x28: {  	s2 =	sld [smem:$0x3FB0]  }
0x29: {  	s4 =	sld [smem:$0x3FB2]  }
0x2a: {  	p0 =	seq.s32 s5, $0x0;
	s5 =	sld [smem:$0x3FB3]  }
0x2b: {  	s6 =	sld [smem:$0x3FB4]  }
0x2c: {  	s7 =	sld [smem:$0x3FB5]  }
0x2d: {  	s3 =	simm.s32 $0x108;
	s8 =	sld [smem:$0x3FB6]  }
0x2e: {  	s3 =	simm.s32 @!p0 $0x1082;
	s9 =	sld [smem:$0x3FB7]  }
0x2f: {  	lr =	sadd.s32 s0, s3;
	s0 =	sld [smem:$0x3FAE]  }
0x30: {  	s3 =	sld [smem:$0x3FB1]  }
0x31: {  	[smem:$0x3FBA] =	sst s10  }
0x32: {  	s10 =	sld [smem:$0x3FB8];
	_ =	sdelay $0x3  }
0x33: {  	p0 =	seq.s32 s10, $0x1;
	s10 =	sld [smem:$0x3FBA];
	_ =	sdelay $0x3  }
0x34: {  	[smem:$0x3FBA] =	sst s10  }
0x35: {  	s10 =	sld [smem:$0x3FB9];
	_ =	sdelay $0x3  }
0x36: {  	p1 =	seq.s32 s10, $0x1;
	s10 =	sld [smem:$0x3FBA];
	_ =	sdelay $0x3  }
0x37: {  	[smem:$0x3FBA] =	sst s10  }
0x38: {  	s10 =	sld [smem:$0x3FBB]  }
0x39: {  	_ = 	snop;
	(pc) =	sbr.ind lr, $3  }
0x3a: {  	_ = 	snop  }
0x3b: {  	_ = 	snop  }
0x3c: {  	p2 =	seq.s32 s10, $0x1;
	s10 =	sld [smem:$0x3FBA]  }
0x3d: {  	_ =	shalt  }
0x3e: {  	_ =	shalt  }
0x3f: {  	_ =	shalt  }
0x40: {  	_ =	shalt  }
0x41: {  	_ =	shalt  }
0x42: {  	_ =	shalt  }
0x43: {  	_ =	shalt  }
0x44: {  	_ =	shalt  }
0x45: {  	_ =	shalt  }
0x46: {  	_ =	shalt  }
0x47: {  	_ =	shalt  }
0x48: {  	_ =	shalt  }
0x49: {  	_ =	shalt  }
0x4a: {  	_ =	shalt  }
0x4b: {  	_ =	shalt  }
0x4c: {  	_ =	shalt  }
0x4d: {  	_ =	shalt  }
0x4e: {  	_ =	shalt  }
0x4f: {  	_ =	shalt  }
0x50: {  	_ =	shalt  }
0x51: {  	_ =	shalt  }
0x52: {  	_ =	shalt  }
0x53: {  	_ =	shalt  }
0x54: {  	_ =	shalt  }
0x55: {  	_ =	shalt  }
0x56: {  	_ =	shalt  }
0x57: {  	_ =	shalt  }
0x58: {  	_ =	shalt  }
0x59: {  	_ =	shalt  }
0x5a: {  	_ =	shalt  }
0x5b: {  	_ =	shalt  }
0x5c: {  	_ =	shalt  }
0x5d: {  	_ =	shalt  }
0x5e: {  	_ =	shalt  }
0x5f: {  	_ =	shalt  }
0x60: {  	_ =	shalt  }
0x61: {  	_ =	shalt  }
0x62: {  	_ =	shalt  }
0x63: {  	_ =	shalt  }
0x64: {  	_ =	shalt  }
0x65: {  	_ =	shalt  }
0x66: {  	_ =	shalt  }
0x67: {  	_ =	shalt  }
0x68: {  	_ =	shalt  }
0x69: {  	_ =	shalt  }
0x6a: {  	_ =	shalt  }
0x6b: {  	_ =	shalt  }
0x6c: {  	_ =	shalt  }
0x6d: {  	_ =	shalt  }
0x6e: {  	_ =	shalt  }
0x6f: {  	_ =	shalt  }
0x70: {  	_ =	shalt  }
0x71: {  	_ =	shalt  }
0x72: {  	_ =	shalt  }
0x73: {  	_ =	shalt  }
0x74: {  	_ =	shalt  }
0x75: {  	_ =	shalt  }
0x76: {  	_ =	shalt  }
0x77: {  	_ =	shalt  }
0x78: {  	_ =	shalt  }
0x79: {  	_ =	shalt  }
0x7a: {  	_ =	shalt  }
0x7b: {  	_ =	shalt  }
0x7c: {  	_ =	shalt  }
0x7d: {  	_ =	shalt  }
0x7e: {  	_ =	shalt  }
0x7f: {  	_ =	shalt  }
0x80: {  	_ =	shalt  }
0x81: {  	_ =	shalt  }
0x82: {  	_ =	shalt  }
0x83: {  	_ =	shalt  }
0x84: {  	_ =	shalt  }
0x85: {  	_ =	shalt  }
0x86: {  	_ =	shalt  }
0x87: {  	_ =	shalt  }
.Lfunc_end0:
.L_simem_size_0:
called_computation_lowered:
.L_overlay_start_0:
0x88: {  	s2 =	sld [smem:$0x3FD9]  }
0x89: {  	s3 =	sld [smem:$0x3FFE];
	_ =	sdelay $0x1  }
0x8a: {  	s1 =	srdreg.scid  }
0x8b: {  	s0 =	sand.u32 $0x1, s1  }
0x8c: {  	s17 =	sshll.u32 s0, $0xA;
	s2 =	sadd.s32 s3, s2  }
0x8d: {  	s2 =	sadd.s32 s2, s17  }
0x8e: {  	[smem:$0x3FC6] =	sst s2  }
0x8f: {  	_ = 	snop  }
0x90: {  	s2 =	sld [smem:$0x3FC8]  }
0x91: {  	s18 =	sld [smem:$0x3FD0];
	(tm) =	ssettm $0x1  }
0x92: {  	s4 =	sld [smem:$0x3FFB];
	_ =	sdelay $0x3  }
0x93: {  	_ =	strace s4  }
0x94: {  	s4 =	sld [smem:$0x3FFC];
	_ =	sdelay $0x3  }
0x95: {  	_ =	strace s4  }
0x96: {  	s4 =	sld [smem:$0x3FFD];
	_ =	sdelay $0x3  }
0x97: {  	_ =	strace s4  }
0x98: {  	_ =	strace $0x8FFFFFFF  }
0x99: {  	s19 =	sld [smem:$0x3FDB];
	_ =	sdelay $0x1  }
0x9a: {  	s5 =	simm.s32 $_scs_section_size  }
0x9b: {  	s6 =	simm.s32 $_size__tile_overlayer_lowered;
	s7 =	simm.s32 $_tile_overlayer_lowered  }
0x9c: {  	s22 =	simm.s32 $0x1BFF;
	s21 =	sshll.u32 s7, $0x1;
	s4 =	sadd.s32 s5, s19  }
0x9d: {  	s8 =	simm.s32 $0x0;
	s20 =	sshll.u32 s6, $0x1;
	s6 =	sadd.s32 s21, s4  }
0x9e: {  	[timem:s8], [sflag:s22] =	dma.local [hbm:s6], s20  }
0x9f: {  	_ =	swait.ge [sflag:s22], s20  }
0xa0: {  	s5 =	ssub.s32 $0x0, s20;
	[sflag:s22] =	ssyncset.done $0x0  }
0xa1: {  	[sflag:s22] =	ssyncadd.s32 s5;
	_ =	sdelay $0x1  }
0xa2: {  	s23 =	simm.s32 $0x1B8B  }
0xa3: {  	_ =	swait.ge [sflag:s23], $0x1  }
0xa4: {  	[sflag:s23] =	ssyncset.done $0x0  }
0xa5: {  	s25 =	simm.s32 $0x1B8E;
	s24 =	sld [smem:$0x3FFE];
	[sflag:s23] =	ssyncadd.s32 $0xFFFFFFFF  }
0xa6: {  	s26 =	simm.s32 $execute0_lowered;
	[smem:$0x3FD2] =	sst s25  }
0xa7: {  	s6 =	sshll.u32 s26, $0x1;
	_ =	strace $0x80000046;
	[dreg:$0x1] =	wrdreg $0xFFFFFFFF  }
0xa8: {  	s28 =	simm.s32 $_size_execute0_lowered;
	s4 =	sadd.s32 s4, s6;
	[dreg:$0x0] =	wrdreg $0x0  }
0xa9: {  	s6 =	sshll.u32 s28, $0x1;
	[dreg:$0x2] =	wrdreg s4  }
0xaa: {  	[dreg:$0x3] =	wrdreg s6  }
0xab: {  	[dreg:$0x4] =	wrdreg $0xC0  }
0xac: {  	_ =	task [dreg:s8], $0x5FFFF  }
0xad: {  	[dreg:$0x1] =	wrdreg $0xFFFFFFFF  }
0xae: {  	[dreg:$0x0] =	wrdreg $0x60  }
0xaf: {  	[dreg:$0x2] =	wrdreg s24  }
0xb0: {  	[dreg:$0x3] =	wrdreg s2  }
0xb1: {  	[dreg:$0x4] =	wrdreg s18  }
0xb2: {  	[dreg:$0x5] =	wrdreg $0x104000  }
0xb3: {  	[dreg:$0x6] =	wrdreg $0x9  }
0xb4: {  	_ =	task.clear_ibuf [dreg:s8], $0x7FFFF;
	_ =	strace $0x90000046  }
0xb5: {  	s29 =	simm.s32 $0x9;
	_ =	strace $0x80000048  }
0xb6: {  	_ =	swait.ge [sflag:s29], $0x1  }
0xb7: {  	[sflag:s29] =	ssyncadd.s32 $0xFFFFFFFF  }
0xb8: {  	_ =	strace $0x90000048  }
0xb9: {  	_ =	sfence  }
0xba: {  	s30 =	sld [smem:$0x0];
	_ =	sdelay $0x2  }
0xbb: {  	s31 =	sshll.u32 s1, $0xD;
	s1 =	sshrl.u32 s1, $0x2  }
0xbc: {  	s3 =	sand.u32 $0x4000, s31;
	s1 =	sadd.s32 s1, s30  }
0xbd: {  	s0 =	sor.u32 s3, s0;
	s1 =	sshll.u32 s1, $0x11  }
0xbe: {  	s0 =	sor.u32 s1, s0  }
0xbf: {  	s0 =	sadd.s32 $0x8F2B, s0  }
0xc0: {  	[sflag:s0] =	ssyncadd.remote.s32 $0x1  }
0xc1: {  	_ =	sfence.sel $0xFFFF  }
0xc2: {  	[dreg:$0x0] =	wrdreg $0xFFFFFFFF;
	(pc) =	sbr.abs _section_cstart, $3  }
0xc3: {  	[dreg:$0x1] =	wrdreg $0xFFFFFFFF  }
0xc4: {  	_ =	task.clear_ibuf [dreg:s8], $0x2FFFF;
	_ =	strace $0x9FFFFFFF  }
0xc5: {  	(tm) =	ssettm $0x7FFFFFFF  }
tec
execute0_lowered:
.L_overlay_start_1:
0x0: {  	(tag) =	ssettag $0x1  }
0x1: {  	s0 =	rddreg [dreg:$0x0]  }
0x2: {  	s4 =	rddreg [dreg:$0x1]  }
0x3: {  	s5 =	rddreg [dreg:$0x2]  }
0x4: {  	s2 =	rddreg [dreg:$0x3];
	s1 =	srdreg.scid;
	s3 =	simm.s32 $0x0  }
0x5: {  	s9 =	stileid.u32;
	[smem:$0x7FF] =	sst s3;
	s26 =	sadd.s32 $0x3C00, s4  }
0x6: {  	s15 =	simm.s32 $0x80;
	_ =	strace $0x80000047;
	[dreg:$0x6] =	wrdreg s26  }
0x7: {  	s16 =	simm.s32 $0x100;
	s17 =	simm.s32 $0x180;
	[dreg:$0x11] =	wrdreg s15  }
0x8: {  	s18 =	simm.s32 $0x200;
	s19 =	simm.s32 $0x280;
	[dreg:$0x12] =	wrdreg s16  }
0x9: {  	s1 =	sand.u32 $0x1, s1;
	s6 =	sshll.u32 s9, $0x1;
	[dreg:$0x13] =	wrdreg s17  }
0xa: {  	s21 =	simm.s32 $0x300;
	s6 =	sor.u32 s1, s6;
	[dreg:$0x14] =	wrdreg s18  }
0xb: {  	s7 =	sshll.u32 s9, $0xA;
	[dreg:$0x15] =	wrdreg s19;
	s8 =	sshll.u32 s6, $0xD  }
0xc: {  	s7 =	sadd.s32 s4, s7;
	[dreg:$0x16] =	wrdreg s21;
	s4 =	sadd.s32 s5, s8  }
0xd: {  	[dreg:$0x5] =	wrdreg s7;
	s5 =	sadd.s32 $0x400, s4  }
0xe: {  	s7 =	sadd.s32 $0x800, s4;
	[dreg:$0x7] =	wrdreg s5  }
0xf: {  	s8 =	sadd.s32 $0xC00, s4;
	[dreg:$0x8] =	wrdreg s7  }
0x10: {  	s10 =	sadd.s32 $0x1000, s4;
	[dreg:$0x9] =	wrdreg s8  }
0x11: {  	s12 =	sadd.s32 $0x1400, s4;
	[dreg:$0xa] =	wrdreg s10  }
0x12: {  	s11 =	sshll.u32 s9, $0xD;
	s13 =	sadd.s32 $0x1800, s4;
	[dreg:$0xb] =	wrdreg s12  }
0x13: {  	p0 =	seq.s32 s9, $0xF;
	s14 =	sadd.s32 $0x1C00, s4;
	[dreg:$0xc] =	wrdreg s13  }
0x14: {  	s20 =	sshll.u32 s6, $0x7;
	s8 =	sadd.s32 $0x1E000, s2;
	[dreg:$0xd] =	wrdreg s14  }
0x15: {  	s10 =	rddreg [dreg:$0x6];
	s5 =	sshrl.u32 @p0 s8, $0x3;
	s8 =	sshll.u32 @!p0 s9, $0x6  }
0x16: {  	s6 =	simm.s32 @p0 $0x0;
	[dreg:$0x10] =	wrdreg s5;
	s5 =	sor.u32 @!p0 $0x1C09, s8  }
0x17: {  	s0 =	sadd.s32 s20, s0;
	s7 =	sadd.s32 s11, s2;
	[dreg:$0xe] =	wrdreg s5  }
0x18: {  	s8 =	simm.s32 @p0 $0xB;
	s5 =	sshrl.u32 @!p0 s7, $0x3;
	s9 =	rddreg [dreg:$0x10]  }
0x19: {  	[dreg:$0xf] =	wrdreg s5;
	s5 =	sadd.s32 $0x400, s0;
	s0 =	simm.s32 @p0 $0x1FC9  }
0x1a: {  	[spmem:s9], [sflag:s0] =	dma.local @p0 [hbm:s10], $0x280  }
0x1b: {  	[tilespmem:s6], [sflag:$0xB] =	stream.linear.gather @p0 [hbm4b:s5+s6], $0x400, $0x38;
	[tilespmem:$0x12340] =	vst v63  }
0x1c: {  	_ =	swait.ge @p0 [sflag:s8], $0x400  }
0x1d: {  	[sflag:s8] =	ssyncset.done @p0 $0x0  }
0x1e: {  	s9 =	simm.s32 @p0 $0x9;
	[sflag:s8] =	ssyncadd.s32 @p0 $0xFFFFFC00  }
0x1f: {  	_ =	swait.ge @p0 [sflag:s9], $0x280  }
0x20: {  	s0 =	rddreg [dreg:$0xe]  }
0x21: {  	s11 =	simm.s32 @!p0 $0xB;
	s12 =	rddreg [dreg:$0xf];
	[sflag:s9] =	ssyncset.done @p0 $0x0  }
0x22: {  	s6 =	simm.s32 @!p0 $0x0;
	s13 =	rddreg [dreg:$0x5];
	[sflag:s9] =	ssyncadd.s32 @p0 $0xFFFFFD80  }
0x23: {  	[spmem:s12], [sflag:s0] =	dma.local @!p0 [hbm:s13], $0x400  }
0x24: {  	[tilespmem:s6], [sflag:$0xB] =	stream.linear.gather @!p0 [hbm4b:s5+s6], $0x400, $0x38;
	[tilespmem:$0x12340] =	vst v63  }
0x25: {  	_ =	swait.ge @!p0 [sflag:s11], $0x400  }
0x26: {  	[sflag:s11] =	ssyncset.done @!p0 $0x0  }
0x27: {  	s12 =	simm.s32 @!p0 $0x9;
	[sflag:s11] =	ssyncadd.s32 @!p0 $0xFFFFFC00  }
0x28: {  	_ =	swait.ge @!p0 [sflag:s12], $0x400  }
0x29: {  	[sflag:s12] =	ssyncset.done @!p0 $0x0  }
0x2a: {  	[sflag:s12] =	ssyncadd.s32 @!p0 $0xFFFFFC00  }
0x2b: {  	s14 =	simm.s32 $0x400;
	s13 =	simm.s32 $0x40;
	[bflag:$0x0] =	sbarrier.arrive $0xFFFF  }
0x2c: {  	[tilespmem:s14], [sflag:$0x1] =	stream.indirect.gather [spmem:s2], $0x80, s3, s13, $0xb8;
	[tilespmem:$0x12340] =	vst v63  }
0x2d: {  	s15 =	simm.s32 $0x2400;
	s22 =	rddreg [dreg:$0x11]  }
0x2e: {  	[tilespmem:s15], [sflag:$0x2] =	stream.indirect.gather [spmem:s2], $0x80, s22, s13, $0xb8;
	[tilespmem:$0x12340] =	vst v63  }
0x2f: {  	s16 =	simm.s32 $0x4400;
	s17 =	rddreg [dreg:$0x12]  }
0x30: {  	[tilespmem:s16], [sflag:$0x3] =	stream.indirect.gather [spmem:s2], $0x80, s17, s13, $0xb8;
	[tilespmem:$0x12340] =	vst v63  }
0x31: {  	s23 =	rddreg [dreg:$0x13];
	s17 =	simm.s32 $0x6400  }
0x32: {  	[tilespmem:s17], [sflag:$0x4] =	stream.indirect.gather [spmem:s2], $0x80, s23, s13, $0xb8;
	[tilespmem:$0x12340] =	vst v63  }
0x33: {  	s18 =	simm.s32 $0x8400;
	s19 =	rddreg [dreg:$0x14]  }
0x34: {  	[tilespmem:s18], [sflag:$0x5] =	stream.indirect.gather [spmem:s2], $0x80, s19, s13, $0xb8;
	[tilespmem:$0x12340] =	vst v63  }
0x35: {  	s24 =	rddreg [dreg:$0x15];
	s19 =	simm.s32 $0xA400  }
0x36: {  	[tilespmem:s19], [sflag:$0x6] =	stream.indirect.gather [spmem:s2], $0x80, s24, s13, $0xb8;
	[tilespmem:$0x12340] =	vst v63  }
0x37: {  	s20 =	simm.s32 $0xC400;
	s21 =	rddreg [dreg:$0x16]  }
0x38: {  	[tilespmem:s20], [sflag:$0x7] =	stream.indirect.gather [spmem:s2], $0x80, s21, s13, $0xb8;
	[tilespmem:$0x12340] =	vst v63  }
0x39: {  	s22 =	simm.s32 $0xE400;
	s23 =	simm.s32 $0x1;
	s21 =	simm.s32 $0x380  }
0x3a: {  	[tilespmem:s22], [sflag:$0x8] =	stream.indirect.gather [spmem:s2], $0x80, s21, s13, $0xb8;
	[tilespmem:$0x12340] =	vst v63  }
0x3b: {  	_ =	swait.ge [sflag:s23], $0x2000  }
0x3c: {  	[sflag:s23] =	ssyncset.done $0x0  }
0x3d: {  	s24 =	simm.s32 $0x2;
	[sflag:s23] =	ssyncadd.s32 $0xFFFFE000  }
0x3e: {  	[hbm4b:s4+s3] =	stream.linear.scatter [tilespmem:s14], [sflag:$0xA], $0x2000, $0x38;
	[tilespmem:$0x12340] =	vst v63  }
0x3f: {  	_ =	swait.ge [sflag:s24], $0x2000  }
0x40: {  	[sflag:s24] =	ssyncset.done $0x0  }
0x41: {  	s25 =	rddreg [dreg:$0x7];
	[sflag:s24] =	ssyncadd.s32 $0xFFFFE000  }
0x42: {  	[hbm4b:s25+s3] =	stream.linear.scatter [tilespmem:s15], [sflag:$0xA], $0x2000, $0x38;
	[tilespmem:$0x12340] =	vst v63  }
0x43: {  	s25 =	simm.s32 $0x3  }
0x44: {  	_ =	swait.ge [sflag:s25], $0x2000  }
0x45: {  	[sflag:s25] =	ssyncset.done $0x0  }
0x46: {  	s26 =	rddreg [dreg:$0x8];
	[sflag:s25] =	ssyncadd.s32 $0xFFFFE000  }
0x47: {  	[hbm4b:s26+s3] =	stream.linear.scatter [tilespmem:s16], [sflag:$0xA], $0x2000, $0x38;
	[tilespmem:$0x12340] =	vst v63  }
0x48: {  	s26 =	simm.s32 $0x4  }
0x49: {  	_ =	swait.ge [sflag:s26], $0x2000  }
0x4a: {  	[sflag:s26] =	ssyncset.done $0x0  }
0x4b: {  	s28 =	simm.s32 $0x5;
	s6 =	rddreg [dreg:$0x9];
	[sflag:s26] =	ssyncadd.s32 $0xFFFFE000  }
0x4c: {  	[hbm4b:s6+s3] =	stream.linear.scatter [tilespmem:s17], [sflag:$0xA], $0x2000, $0x38;
	[tilespmem:$0x12340] =	vst v63  }
0x4d: {  	_ =	swait.ge [sflag:s28], $0x2000  }
0x4e: {  	[sflag:s28] =	ssyncset.done $0x0  }
0x4f: {  	s29 =	simm.s32 $0x6;
	s7 =	rddreg [dreg:$0xa];
	[sflag:s28] =	ssyncadd.s32 $0xFFFFE000  }
0x50: {  	[hbm4b:s7+s3] =	stream.linear.scatter [tilespmem:s18], [sflag:$0xA], $0x2000, $0x38;
	[tilespmem:$0x12340] =	vst v63  }
0x51: {  	_ =	swait.ge [sflag:s29], $0x2000  }
0x52: {  	[sflag:s29] =	ssyncset.done $0x0  }
0x53: {  	s30 =	simm.s32 $0x7;
	s10 =	rddreg [dreg:$0xb];
	[sflag:s29] =	ssyncadd.s32 $0xFFFFE000  }
0x54: {  	[hbm4b:s10+s3] =	stream.linear.scatter [tilespmem:s19], [sflag:$0xA], $0x2000, $0x38;
	[tilespmem:$0x12340] =	vst v63  }
0x55: {  	_ =	swait.ge [sflag:s30], $0x2000  }
0x56: {  	[sflag:s30] =	ssyncset.done $0x0  }
0x57: {  	s31 =	simm.s32 $0x8;
	s6 =	rddreg [dreg:$0xc];
	[sflag:s30] =	ssyncadd.s32 $0xFFFFE000  }
0x58: {  	[hbm4b:s6+s3] =	stream.linear.scatter [tilespmem:s20], [sflag:$0xA], $0x2000, $0x38;
	[tilespmem:$0x12340] =	vst v63  }
0x59: {  	_ =	swait.ge [sflag:s31], $0x2000  }
0x5a: {  	[sflag:s31] =	ssyncset.done $0x0  }
0x5b: {  	s0 =	simm.s32 $0xA;
	s7 =	rddreg [dreg:$0xd];
	[sflag:s31] =	ssyncadd.s32 $0xFFFFE000  }
0x5c: {  	[hbm4b:s7+s3] =	stream.linear.scatter [tilespmem:s22], [sflag:$0xA], $0x2000, $0x38;
	[tilespmem:$0x12340] =	vst v63  }
0x5d: {  	_ =	swait.ge [sflag:s0], $0x2000  }
0x5e: {  	[sflag:s0] =	ssyncset.done $0x0  }
0x5f: {  	[sflag:s0] =	ssyncadd.s32 $0xFFFFE000  }
0x60: {  	_ =	swait.ge [sflag:s0], $0x2000  }
0x61: {  	[sflag:s0] =	ssyncset.done $0x0  }
0x62: {  	[sflag:s0] =	ssyncadd.s32 $0xFFFFE000  }
0x63: {  	_ =	swait.ge [sflag:s0], $0x2000  }
0x64: {  	[sflag:s0] =	ssyncset.done $0x0  }
0x65: {  	[sflag:s0] =	ssyncadd.s32 $0xFFFFE000  }
0x66: {  	s10 =	ssub.s32 $0x2, s1;
	_ =	swait.ge [sflag:s0], $0x2000  }
0x67: {  	s1 =	sshrl.u32 s10, $0x1;
	[sflag:s0] =	ssyncset.done $0x0  }
0x68: {  	s1 =	ssub.s32 s10, s1;
	[sflag:s0] =	ssyncadd.s32 $0xFFFFE000  }
0x69: {  	s1 =	smax.u32 s1, $0x1;
	_ =	swait.ge [sflag:s0], $0x2000  }
0x6a: {  	s1 =	sadd.s32 $0xFFFFFFFF, s1;
	[sflag:s0] =	ssyncset.done $0x0  }
0x6b: {  	p1 =	sne.s32 s1, $0x0;
	[sflag:s0] =	ssyncadd.s32 $0xFFFFE000  }
.Ltmp0:
0x6c: {  	_ =	swait.ge [sflag:s0], $0x2000;
	(pc) =	sbr.rel @!p1 .LBB2_2-.Ltmp0, $4  }
0x6d: {  	[sflag:s0] =	ssyncset.done $0x0  }
0x6e: {  	[sflag:s0] =	ssyncadd.s32 $0xFFFFE000  }
0x6f: {  	_ =	swait.ge [sflag:s0], $0x2000  }
0x70: {  	[sflag:s0] =	ssyncset.done $0x0  }
.LBB2_1:
0x71: {  	[sflag:s0] =	ssyncadd.s32 $0xFFFFE000  }
0x72: {  	_ =	swait.ge [sflag:s0], $0x2000  }
0x73: {  	s6 =	rddreg [dreg:$0x10];
	[sflag:s0] =	ssyncset.done $0x0  }
0x74: {  	s10 =	simm.s32 @p0 $0x1FC9;
	s7 =	rddreg [dreg:$0x6];
	[sflag:s0] =	ssyncadd.s32 $0xFFFFE000  }
0x75: {  	[spmem:s6], [sflag:s10] =	dma.local @p0 [hbm:s7], $0x280  }
0x76: {  	s6 =	simm.s32 @p0 $0x0  }
0x77: {  	[tilespmem:s6], [sflag:$0xB] =	stream.linear.gather @p0 [hbm4b:s5+s6], $0x400, $0x38;
	[tilespmem:$0x12340] =	vst v63  }
0x78: {  	_ =	swait.ge @p0 [sflag:s8], $0x400  }
0x79: {  	[sflag:s8] =	ssyncset.done @p0 $0x0  }
0x7a: {  	[sflag:s8] =	ssyncadd.s32 @p0 $0xFFFFFC00  }
0x7b: {  	_ =	swait.ge @p0 [sflag:s9], $0x280  }
0x7c: {  	s6 =	rddreg [dreg:$0xe]  }
0x7d: {  	[sflag:s9] =	ssyncset.done @p0 $0x0;
	s7 =	rddreg [dreg:$0xf]  }
0x7e: {  	s10 =	rddreg [dreg:$0x5];
	[sflag:s9] =	ssyncadd.s32 @p0 $0xFFFFFD80  }
0x7f: {  	[spmem:s7], [sflag:s6] =	dma.local @!p0 [hbm:s10], $0x400  }
0x80: {  	s6 =	simm.s32 @!p0 $0x0  }
0x81: {  	[tilespmem:s6], [sflag:$0xB] =	stream.linear.gather @!p0 [hbm4b:s5+s6], $0x400, $0x38;
	[tilespmem:$0x12340] =	vst v63  }
0x82: {  	_ =	swait.ge @!p0 [sflag:s11], $0x400  }
0x83: {  	[sflag:s11] =	ssyncset.done @!p0 $0x0  }
0x84: {  	[sflag:s11] =	ssyncadd.s32 @!p0 $0xFFFFFC00  }
0x85: {  	_ =	swait.ge @!p0 [sflag:s12], $0x400  }
0x86: {  	[sflag:s12] =	ssyncset.done @!p0 $0x0  }
0x87: {  	[sflag:s12] =	ssyncadd.s32 @!p0 $0xFFFFFC00  }
0x88: {  	[bflag:$0x0] =	sbarrier.arrive $0xFFFF  }
0x89: {  	[tilespmem:s14], [sflag:$0x1] =	stream.indirect.gather [spmem:s2], $0x80, s3, s13, $0xb8;
	[tilespmem:$0x12340] =	vst v63  }
0x8a: {  	s6 =	rddreg [dreg:$0x11]  }
0x8b: {  	[tilespmem:s15], [sflag:$0x2] =	stream.indirect.gather [spmem:s2], $0x80, s6, s13, $0xb8;
	[tilespmem:$0x12340] =	vst v63  }
0x8c: {  	s10 =	rddreg [dreg:$0x12]  }
0x8d: {  	[tilespmem:s16], [sflag:$0x3] =	stream.indirect.gather [spmem:s2], $0x80, s10, s13, $0xb8;
	[tilespmem:$0x12340] =	vst v63  }
0x8e: {  	s7 =	rddreg [dreg:$0x13]  }
0x8f: {  	[tilespmem:s17], [sflag:$0x4] =	stream.indirect.gather [spmem:s2], $0x80, s7, s13, $0xb8;
	[tilespmem:$0x12340] =	vst v63  }
0x90: {  	s6 =	rddreg [dreg:$0x14]  }
0x91: {  	[tilespmem:s18], [sflag:$0x5] =	stream.indirect.gather [spmem:s2], $0x80, s6, s13, $0xb8;
	[tilespmem:$0x12340] =	vst v63  }
0x92: {  	s10 =	rddreg [dreg:$0x15]  }
0x93: {  	[tilespmem:s19], [sflag:$0x6] =	stream.indirect.gather [spmem:s2], $0x80, s10, s13, $0xb8;
	[tilespmem:$0x12340] =	vst v63  }
0x94: {  	s7 =	rddreg [dreg:$0x16]  }
0x95: {  	[tilespmem:s20], [sflag:$0x7] =	stream.indirect.gather [spmem:s2], $0x80, s7, s13, $0xb8;
	[tilespmem:$0x12340] =	vst v63  }
0x96: {  	_ = 	snop  }
0x97: {  	[tilespmem:s22], [sflag:$0x8] =	stream.indirect.gather [spmem:s2], $0x80, s21, s13, $0xb8;
	[tilespmem:$0x12340] =	vst v63  }
0x98: {  	_ =	swait.ge [sflag:s23], $0x2000  }
0x99: {  	[sflag:s23] =	ssyncset.done $0x0  }
0x9a: {  	[sflag:s23] =	ssyncadd.s32 $0xFFFFE000  }
0x9b: {  	[hbm4b:s4+s3] =	stream.linear.scatter [tilespmem:s14], [sflag:$0xA], $0x2000, $0x38;
	[tilespmem:$0x12340] =	vst v63  }
0x9c: {  	_ =	swait.ge [sflag:s24], $0x2000  }
0x9d: {  	[sflag:s24] =	ssyncset.done $0x0  }
0x9e: {  	s10 =	rddreg [dreg:$0x7];
	[sflag:s24] =	ssyncadd.s32 $0xFFFFE000  }
0x9f: {  	[hbm4b:s10+s3] =	stream.linear.scatter [tilespmem:s15], [sflag:$0xA], $0x2000, $0x38;
	[tilespmem:$0x12340] =	vst v63  }
0xa0: {  	_ =	swait.ge [sflag:s25], $0x2000  }
0xa1: {  	[sflag:s25] =	ssyncset.done $0x0  }
0xa2: {  	s7 =	rddreg [dreg:$0x8];
	[sflag:s25] =	ssyncadd.s32 $0xFFFFE000  }
0xa3: {  	[hbm4b:s7+s3] =	stream.linear.scatter [tilespmem:s16], [sflag:$0xA], $0x2000, $0x38;
	[tilespmem:$0x12340] =	vst v63  }
0xa4: {  	_ =	swait.ge [sflag:s26], $0x2000  }
0xa5: {  	[sflag:s26] =	ssyncset.done $0x0  }
0xa6: {  	s10 =	rddreg [dreg:$0x9];
	[sflag:s26] =	ssyncadd.s32 $0xFFFFE000  }
0xa7: {  	[hbm4b:s10+s3] =	stream.linear.scatter [tilespmem:s17], [sflag:$0xA], $0x2000, $0x38;
	[tilespmem:$0x12340] =	vst v63  }
0xa8: {  	_ =	swait.ge [sflag:s28], $0x2000  }
0xa9: {  	[sflag:s28] =	ssyncset.done $0x0  }
0xaa: {  	s7 =	rddreg [dreg:$0xa];
	[sflag:s28] =	ssyncadd.s32 $0xFFFFE000  }
0xab: {  	[hbm4b:s7+s3] =	stream.linear.scatter [tilespmem:s18], [sflag:$0xA], $0x2000, $0x38;
	[tilespmem:$0x12340] =	vst v63  }
0xac: {  	_ =	swait.ge [sflag:s29], $0x2000  }
0xad: {  	[sflag:s29] =	ssyncset.done $0x0  }
0xae: {  	s10 =	rddreg [dreg:$0xb];
	[sflag:s29] =	ssyncadd.s32 $0xFFFFE000  }
0xaf: {  	[hbm4b:s10+s3] =	stream.linear.scatter [tilespmem:s19], [sflag:$0xA], $0x2000, $0x38;
	[tilespmem:$0x12340] =	vst v63  }
0xb0: {  	_ =	swait.ge [sflag:s30], $0x2000  }
0xb1: {  	[sflag:s30] =	ssyncset.done $0x0  }
0xb2: {  	s7 =	rddreg [dreg:$0xc];
	[sflag:s30] =	ssyncadd.s32 $0xFFFFE000  }
0xb3: {  	[hbm4b:s7+s3] =	stream.linear.scatter [tilespmem:s20], [sflag:$0xA], $0x2000, $0x38;
	[tilespmem:$0x12340] =	vst v63  }
0xb4: {  	_ =	swait.ge [sflag:s31], $0x2000  }
0xb5: {  	[sflag:s31] =	ssyncset.done $0x0  }
0xb6: {  	s10 =	rddreg [dreg:$0xd];
	[sflag:s31] =	ssyncadd.s32 $0xFFFFE000  }
0xb7: {  	[hbm4b:s10+s3] =	stream.linear.scatter [tilespmem:s22], [sflag:$0xA], $0x2000, $0x38;
	[tilespmem:$0x12340] =	vst v63  }
0xb8: {  	_ =	swait.ge [sflag:s0], $0x2000  }
0xb9: {  	[sflag:s0] =	ssyncset.done $0x0  }
0xba: {  	[sflag:s0] =	ssyncadd.s32 $0xFFFFE000  }
0xbb: {  	_ =	swait.ge [sflag:s0], $0x2000  }
0xbc: {  	[sflag:s0] =	ssyncset.done $0x0  }
0xbd: {  	[sflag:s0] =	ssyncadd.s32 $0xFFFFE000  }
0xbe: {  	_ =	swait.ge [sflag:s0], $0x2000  }
0xbf: {  	[sflag:s0] =	ssyncset.done $0x0  }
0xc0: {  	[sflag:s0] =	ssyncadd.s32 $0xFFFFE000  }
0xc1: {  	_ =	swait.ge [sflag:s0], $0x2000  }
0xc2: {  	[sflag:s0] =	ssyncset.done $0x0  }
0xc3: {  	[sflag:s0] =	ssyncadd.s32 $0xFFFFE000  }
0xc4: {  	_ =	swait.ge [sflag:s0], $0x2000  }
0xc5: {  	s1 =	sadd.s32 $0xFFFFFFFF, s1;
	[sflag:s0] =	ssyncset.done $0x0  }
0xc6: {  	p1 =	sne.s32 s1, $0x0;
	[sflag:s0] =	ssyncadd.s32 $0xFFFFE000  }
.Ltmp1:
0xc7: {  	_ =	swait.ge [sflag:s0], $0x2000;
	(pc) =	sbr.rel @p1 .LBB2_1-.Ltmp1, $4  }
0xc8: {  	[sflag:s0] =	ssyncset.done $0x0  }
0xc9: {  	[sflag:s0] =	ssyncadd.s32 $0xFFFFE000  }
0xca: {  	_ =	swait.ge [sflag:s0], $0x2000  }
0xcb: {  	[sflag:s0] =	ssyncset.done $0x0  }
.LBB2_2:
0xcc: {  	[sflag:s0] =	ssyncadd.s32 $0xFFFFE000  }
0xcd: {  	_ =	swait.ge [sflag:s0], $0x2000  }
0xce: {  	[sflag:s0] =	ssyncset.done $0x0  }
0xcf: {  	[sflag:s0] =	ssyncadd.s32 $0xFFFFE000  }
0xd0: {  	_ =	sfence.sel $0x180000  }
0xd1: {  	[bflag:$0x0] =	sbarrier.arrive $0xFFFF  }
0xd2: {  	_ =	strace $0x90000047  }
0xd3: {  	s31 =	stileid.u32;
	[bflag:$0x2] =	sbarrier.arrive $0xFFFF  }
0xd4: {  	p0 =	sne.s32 s31, $0x0;
	s0 =	rddreg [dreg:$0x4]  }
0xd5: {  	s0 =	sadd.s32 @!p0 $0x100000, s0  }
0xd6: {  	[sflag:s0] =	ssyncadd.tile.s32 @!p0 $0x1;
	_ =	shalt  }
.Lfunc_end2:
_tile_overlayer_lowered:
.L_overlay_start_2:
0xd7: {  	(tag) =	ssettag $0x2  }
0xd8: {  	s0 =	rddreg [dreg:$0x0];
	s2 =	stileid.u32  }
0xd9: {  	s1 =	rddreg [dreg:$0x1];
	p0 =	sne.s32 s2, $0x0  }
0xda: {  	s3 =	rddreg [dreg:$0x2];
	[bflag:$0x3] =	sbarrier.arrive $0xFFFF;
	s2 =	simm.s32 @!p0 $0x1C0B  }
0xdb: {  	[timem:s3], [sflag:s2] =	dma.local @!p0 [hbm:s0], s1  }
0xdc: {  	s0 =	simm.s32 @!p0 $0xB  }
0xdd: {  	_ =	swait.ge @!p0 [sflag:s0], s1  }
0xde: {  	s1 =	ssub.s32 @!p0 $0x0, s1;
	[sflag:s0] =	ssyncset.done @!p0 $0x0  }
0xdf: {  	[sflag:s0] =	ssyncadd.s32 @!p0 s1  }
0xe0: {  	[bflag:$0x3] =	sbarrier.arrive $0xFFFF  }
0xe1: {  	_ =	shalt  }

</sc_bundles>
